<compile_context>
chip_gen: v7x
topology: tpu7x:2x2x1
jax: 0.10.2.dev20260603
libtpu: 0.0.44.dev20260713+nightly
codegen_flags: <defaults>
</compile_context>

<pallas_src>
import jax
import jax.numpy as jnp
from jax import lax
from jax.experimental import pallas as pl
from jax.experimental.pallas import tpu as pltpu
from jax.experimental.pallas import tpu_sc as plsc

B = 32
N = 512
E = 8192
EPB = 2 * E
QROWS = 128


def _sc_body(src_hbm, dst_hbm, idx_hbm, table_hbm,
             a_hbm, emb_hbm,
             src_v, dst_v, acc_v, idx_v, rows_v, sem, sem2, sem3):
    f32 = jnp.float32
    wid = lax.axis_index("s") * 2 + lax.axis_index("c")
    j = wid // 2
    q0 = 2 * lax.rem(wid, 2)

    ce1 = pltpu.async_copy(src_hbm.at[j], src_v, sem)
    ce2 = pltpu.async_copy(dst_hbm.at[j], dst_v, sem2)

    @pl.when(wid < 8)
    def _():
        base = wid * 8
        pltpu.sync_copy(idx_hbm.at[pl.ds(base, 8)], idx_v)
        pltpu.async_copy(table_hbm.at[idx_v], rows_v, sem3)

    zeros16 = jnp.zeros((16,), f32)
    ones16 = jnp.ones((16,), f32)

    def zrow(i, carry):
        for u in range(N // 16):
            acc_v[i, pl.ds(u * 16, 16)] = zeros16
        return carry

    lax.fori_loop(0, QROWS, zrow, 0)
    ce1.wait()
    ce2.wait()

    for t in range(2):
        qlo = (q0 + t) * QROWS
        if t:
            lax.fori_loop(0, QROWS, zrow, 0)

        def step(i, carry):
            for u in range(8):
                off = i * 128 + u * 16
                s16 = src_v[pl.ds(off, 16)]
                d16 = dst_v[pl.ds(off, 16)]
                dl = d16 - qlo
                inr = dl.astype(jnp.uint32) < jnp.uint32(QROWS)
                r = jnp.where(inr, dl, 0)
                vals = jnp.where(inr, ones16, 0.0)
                plsc.addupdate_scatter(acc_v, [r, s16], vals)
            return carry

        lax.fori_loop(0, EPB // 128, step, 0)
        pltpu.sync_copy(acc_v, a_hbm.at[j, pl.ds(qlo, QROWS)])

    @pl.when(wid < 8)
    def _():
        pltpu.make_async_copy(table_hbm.at[idx_v], rows_v, sem3).wait()
        pltpu.sync_copy(rows_v, emb_hbm.at[pl.ds(wid * 8, 8)])


def _sc_sparse(src, dst, idx, table):
    mesh = plsc.VectorSubcoreMesh(core_axis_name="c", subcore_axis_name="s")
    f32 = jnp.float32
    return pl.kernel(
        _sc_body,
        out_type=(
            jax.ShapeDtypeStruct((16, N, N), f32),
            jax.ShapeDtypeStruct((64, N), f32),
        ),
        mesh=mesh,
        scratch_types=(
            pltpu.VMEM((EPB,), jnp.int32),
            pltpu.VMEM((EPB,), jnp.int32),
            pltpu.VMEM((QROWS, N), f32),
            pltpu.VMEM((8,), jnp.int32),
            pltpu.VMEM((8, N), f32),
            pltpu.SemaphoreType.DMA,
            pltpu.SemaphoreType.DMA,
            pltpu.SemaphoreType.DMA,
        ),
        compiler_params=pltpu.CompilerParams(needs_layout_passes=False),
    )(src, dst, idx, table)


def _tc_body(ea1, ed1, ea2, ed2, nf1, nf2, a_r,
             w1, b1, w2, b2, m1, c1, m2, c2, woutT, outb, out_ref):
    f32 = jnp.float32
    A = a_r[0]

    deg = 1.0 + jnp.sum(A, axis=1)
    dinv = lax.rsqrt(deg)
    dinv2 = 1.0 / deg

    w10 = w1[0, 0, :]
    w11 = w1[0, 1, :]
    w12 = w1[0, 2, :]
    a1 = ea1[0, 0, :]
    d1 = ed1[0, 0, :]
    n1 = nf1[0, 0, :]
    a2 = ea2[0, 0, :]
    d2 = ed2[0, 0, :]
    n2 = nf2[0, 0, :]
    xw1_j = (a1[:, None] * w10[None, :] + d1[:, None] * w11[None, :]
             + n1[:, None] * w12[None, :])
    xw1_p = (a2[:, None] * w10[None, :] + d2[:, None] * w11[None, :]
             + n2[:, None] * w12[None, :])

    bf16 = jnp.bfloat16
    b1v = b1[0, 0, :]
    h1_j = jnp.maximum(xw1_j + b1v[None, :], 0.0)
    W2bf = w2[0].astype(bf16)
    h1w2_j = jnp.dot(h1_j.astype(bf16), W2bf,
                     preferred_element_type=f32)

    z = jnp.concatenate([xw1_j, h1w2_j], axis=1)
    agg = jnp.dot(A.astype(bf16), z.astype(bf16), preferred_element_type=f32)

    h1_p = jnp.maximum(dinv2[:, None] * xw1_p + dinv[:, None] * agg[:, :256]
                       + b1v[None, :], 0.0)
    b2v = b2[0, 0, :]
    h2_j = h1w2_j + b2v[None, :]
    h2_p = (dinv2[:, None] * jnp.dot(h1_p.astype(bf16), W2bf,
                                     preferred_element_type=f32)
            + dinv[:, None] * agg[:, 256:] + b2v[None, :])

    c1v = c1[0, 0, :]
    c2v = c2[0, 0, :]
    wo = woutT[0]
    ob = outb[0, 0, :]
    m1bf = m1[0].astype(bf16)
    m2bf = m2[0].astype(bf16)

    def head(h2):
        t1 = jnp.maximum(jnp.dot(h2.astype(bf16), m1bf,
                                 preferred_element_type=f32)
                         + c1v[None, :], 0.0)
        t2 = jnp.maximum(jnp.dot(t1.astype(bf16), m2bf,
                                 preferred_element_type=f32)
                         + c2v[None, :], 0.0)
        s = jnp.sum(t2 * wo, axis=1) + ob
        return 1.0 / (1.0 + jnp.exp(-s))

    out_ref[0, 0, :] = head(h2_j)
    out_ref[0, 1, :] = head(h2_p)


def kernel(actions, node_features, edge_index, emb_table,
           conv1_W, conv1_b, conv2_W, conv2_b,
           mlp1_W, mlp1_b, mlp2_W, mlp2_b, out_W, out_b):
    f32 = jnp.float32
    idx = jnp.concatenate([actions[:, 0], actions[:, 1]]).astype(jnp.int32)
    src = edge_index[:16].reshape(16, EPB)
    dst = edge_index[16:].reshape(16, EPB)

    a_mat, emb_rows = _sc_sparse(src, dst, idx, emb_table)
    emb3 = emb_rows.reshape(64, 1, N)
    nf3 = node_features

    w1 = conv1_W.reshape(1, 3, 256)
    b1 = conv1_b.reshape(1, 1, 256)
    w2 = conv2_W.reshape(1, 256, 128)
    b2 = conv2_b.reshape(1, 1, 128)
    m1 = mlp1_W.reshape(1, 128, 256)
    c1 = mlp1_b.reshape(1, 1, 256)
    m2 = mlp2_W.reshape(1, 256, 256)
    c2 = mlp2_b.reshape(1, 1, 256)
    woutT = out_W.reshape(1, 1, 256)
    outb = jnp.broadcast_to(out_b.reshape(1, 1, 1), (1, 1, N))

    const = lambda j: (0, 0, 0)
    out = pl.pallas_call(
        _tc_body,
        grid=(16,),
        in_specs=[
            pl.BlockSpec((1, 1, N), lambda j: (j, 0, 0)),
            pl.BlockSpec((1, 1, N), lambda j: (j + 32, 0, 0)),
            pl.BlockSpec((1, 1, N), lambda j: (j + 16, 0, 0)),
            pl.BlockSpec((1, 1, N), lambda j: (j + 48, 0, 0)),
            pl.BlockSpec((1, 1, N), lambda j: (j, 0, 0)),
            pl.BlockSpec((1, 1, N), lambda j: (j + 16, 0, 0)),
            pl.BlockSpec((1, N, N), lambda j: (j, 0, 0)),
            pl.BlockSpec((1, 3, 256), const),
            pl.BlockSpec((1, 1, 256), const),
            pl.BlockSpec((1, 256, 128), const),
            pl.BlockSpec((1, 1, 128), const),
            pl.BlockSpec((1, 128, 256), const),
            pl.BlockSpec((1, 1, 256), const),
            pl.BlockSpec((1, 256, 256), const),
            pl.BlockSpec((1, 1, 256), const),
            pl.BlockSpec((1, 1, 256), const),
            pl.BlockSpec((1, 1, N), const),
        ],
        out_specs=pl.BlockSpec((1, 2, N), lambda j: (j, 0, 0)),
        out_shape=jax.ShapeDtypeStruct((16, 2, N), f32),
        compiler_params=pltpu.CompilerParams(
            dimension_semantics=("arbitrary",),
        ),
    )(emb3, emb3, emb3, emb3, nf3, nf3, a_mat,
      w1, b1, w2, b2, m1, c1, m2, c2, woutT, outb)
    return out.transpose(1, 0, 2).reshape(B, N)

# --- scband reference (transcript-rebuilt; emitter-appended) ---
"""Pipeline reference for scband-gcn-critic-39101382262872 (READ-ONLY COPY).

The authoritative reference and input builder live on the scoring server;
editing this copy changes nothing except your own understanding.
"""

import jax, jax.numpy as jnp
import numpy as np

EMBED_SIZE = 128
HIDDEN_SIZE = 256
OUTPUT_SIZE = 512  # == num_nodes
NUM_EMBEDDINGS = OUTPUT_SIZE * (OUTPUT_SIZE - 1) // 2  # ncr(512, 2) = 130816
B = 32
N = 512
E = 8192


def setup_inputs(seed: int = 0) -> dict:
    key = jax.random.key(seed)
    ks = [jax.random.fold_in(key, i) for i in range(16)]
    inp = {}
    inp["actions"] = jax.random.randint(ks[0], (B, 2), 0, NUM_EMBEDDINGS, dtype=jnp.int64 if jax.config.jax_enable_x64 else jnp.int32).astype(jnp.int32)
    inp["node_features"] = jax.random.normal(ks[1], (B, 1, N), dtype=jnp.float32)
    inp["edge_index"] = jax.random.randint(ks[2], (B, 2, E), 0, N).astype(jnp.int32)
    # parameters
    inp["emb_table"] = jax.random.normal(ks[3], (NUM_EMBEDDINGS, OUTPUT_SIZE), dtype=jnp.float32)
    inp["conv1_W"] = jax.random.normal(ks[4], (3, HIDDEN_SIZE), dtype=jnp.float32) * 0.05
    inp["conv1_b"] = jnp.zeros((HIDDEN_SIZE,), dtype=jnp.float32)
    inp["conv2_W"] = jax.random.normal(ks[5], (HIDDEN_SIZE, EMBED_SIZE), dtype=jnp.float32) * 0.05
    inp["conv2_b"] = jnp.zeros((EMBED_SIZE,), dtype=jnp.float32)
    inp["mlp1_W"] = jax.random.normal(ks[6], (EMBED_SIZE, HIDDEN_SIZE), dtype=jnp.float32) * 0.05
    inp["mlp1_b"] = jnp.zeros((HIDDEN_SIZE,), dtype=jnp.float32)
    inp["mlp2_W"] = jax.random.normal(ks[7], (HIDDEN_SIZE, HIDDEN_SIZE), dtype=jnp.float32) * 0.05
    inp["mlp2_b"] = jnp.zeros((HIDDEN_SIZE,), dtype=jnp.float32)
    inp["out_W"] = jax.random.normal(ks[8], (HIDDEN_SIZE, 1), dtype=jnp.float32) * 0.05
    inp["out_b"] = jnp.zeros((1,), dtype=jnp.float32)
    return inp


def _gcn_conv(x, ei, W, b, n):
    # Faithful PyG GCNConv: add self loops, symmetric normalization, linear transform,
    # scatter-add aggregation at destination (col), plus bias.
    row, col = ei[0], ei[1]
    loop = jnp.arange(n, dtype=ei.dtype)
    row = jnp.concatenate([row, loop])
    col = jnp.concatenate([col, loop])
    deg = jnp.zeros((n,), dtype=x.dtype).at[col].add(1.0)
    dinv = jnp.where(deg > 0, 1.0 / jnp.sqrt(deg), 0.0)
    norm = dinv[row] * dinv[col]
    xw = x @ W
    out = jnp.zeros((n, W.shape[1]), dtype=x.dtype).at[col].add(norm[:, None] * xw[row])
    return out + b


def reference(actions, node_features, edge_index, emb_table, conv1_W, conv1_b, conv2_W, conv2_b, mlp1_W, mlp1_b, mlp2_W, mlp2_b, out_W, out_b):
    batch_size, num_features, num_nodes = node_features.shape
    nf = jnp.squeeze(node_features.astype(jnp.float32))  # [B, N]
    a = actions[..., 0]  # [B]
    a_emb = jnp.take(emb_table, a, axis=0)  # [B, N]
    d = actions[..., 1]
    d_emb = jnp.take(emb_table, d, axis=0)  # [B, N]
    x = jnp.stack((a_emb, d_emb, nf), axis=2)  # [B, N, 3]
    x = x.reshape(batch_size * num_nodes, x.shape[2])
    # per-graph node-id offsets (in-place b += i*num_nodes in torch), then the
    # original code's (buggy-but-faithful) reshape to [2, B*E]
    offsets = (jnp.arange(batch_size, dtype=edge_index.dtype) * num_nodes)[:, None, None]
    ei = (edge_index + offsets).reshape(2, batch_size * edge_index.shape[2])
    n_total = batch_size * num_nodes
    x = jax.nn.relu(_gcn_conv(x, ei, conv1_W, conv1_b, n_total))
    # dropout p=0 -> identity
    x = _gcn_conv(x, ei, conv2_W, conv2_b, n_total)
    x = x.reshape(batch_size, num_nodes, -1)
    x = jax.nn.relu(x @ mlp1_W + mlp1_b)
    x = jax.nn.relu(x @ mlp2_W + mlp2_b)
    x = (x @ out_W + out_b).squeeze(-1)  # [B, N]
    return jax.nn.sigmoid(x)

if __name__ == "__main__":
    import jax
    _d = setup_inputs()
    print(jax.jit(kernel)(*tuple(_d.values())))

</pallas_src>

<mosaic_0001>
#map = affine_map<(d0, d1) -> (0, 0)>
#map1 = affine_map<(d0, d1) -> (0)>
#map2 = affine_map<(d0, d1) -> (0, 0, 0)>
module attributes {stable_mosaic.version = 14 : i64} {
  func.func @_sc_body(%arg0: i32, %arg1: i32, %arg2: memref<16x16384xi32, #tpu.memory_space<hbm>>, %arg3: memref<16x16384xi32, #tpu.memory_space<hbm>>, %arg4: memref<64xi32, #tpu.memory_space<hbm>>, %arg5: memref<130816x512xf32, #tpu.memory_space<hbm>>, %arg6: memref<16x512x512xf32, #tpu.memory_space<hbm>>, %arg7: memref<64x512xf32, #tpu.memory_space<hbm>>, %arg8: memref<16384xi32, #tpu.memory_space<vmem>>, %arg9: memref<16384xi32, #tpu.memory_space<vmem>>, %arg10: memref<128x512xf32, #tpu.memory_space<vmem>>, %arg11: memref<8xi32, #tpu.memory_space<vmem>>, %arg12: memref<8x512xf32, #tpu.memory_space<vmem>>, %arg13: memref<!tpu.dma_semaphore, #tpu.memory_space<semaphore_mem>>, %arg14: memref<!tpu.dma_semaphore, #tpu.memory_space<semaphore_mem>>, %arg15: memref<!tpu.dma_semaphore, #tpu.memory_space<semaphore_mem>>) attributes {dimension_semantics = [#tpu.dimension_semantics<core_parallel>, #tpu.dimension_semantics<subcore_parallel>], iteration_bounds = array<i64: 2, 16>, scalar_prefetch = 0 : i64, scratch_operands = 8 : i64, tpu.core_type = #tpu.core_type<sc_vector_subcore>, window_params = [{transform_indices = #map}, {transform_indices = #map}, {transform_indices = #map1}, {transform_indices = #map}, {transform_indices = #map2}, {transform_indices = #map}]} {
    %mul3A = arith.constant 2 : i32
    %mul3A_0 = arith.muli %arg1, %mul3A : i32
    %add3A = arith.addi %mul3A_0, %arg0 : i32
    %jit3A = arith.constant 2 : i32
    %div3A = arith.divsi %add3A, %jit3A : i32
    %sign3A = arith.constant 0 : i32
    %sign3A_1 = arith.cmpi sgt, %add3A, %sign3A : i32
    %sign3A_2 = arith.extui %sign3A_1 : i1 to i32
    %sign3A_3 = arith.constant 0 : i32
    %sign3A_4 = arith.cmpi slt, %add3A, %sign3A_3 : i32
    %sign3A_5 = arith.extui %sign3A_4 : i1 to i32
    %sign3A_6 = arith.subi %sign3A_2, %sign3A_5 : i32
    %sign3A_7 = arith.constant 0 : i32
    %sign3A_8 = arith.cmpi sgt, %jit3A, %sign3A_7 : i32
    %sign3A_9 = arith.extui %sign3A_8 : i1 to i32
    %sign3A_10 = arith.constant 0 : i32
    %sign3A_11 = arith.cmpi slt, %jit3A, %sign3A_10 : i32
    %sign3A_12 = arith.extui %sign3A_11 : i1 to i32
    %sign3A_13 = arith.subi %sign3A_9, %sign3A_12 : i32
    %ne3A = arith.cmpi ne, %sign3A_6, %sign3A_13 : i32
    %rem3A = arith.remsi %add3A, %jit3A : i32
    %ne3A_14 = arith.constant 0 : i32
    %ne3A_15 = arith.cmpi ne, %rem3A, %ne3A_14 : i32
    %and3A = arith.andi %ne3A, %ne3A_15 : i1
    %sub3A = arith.constant 1 : i32
    %sub3A_16 = arith.subi %div3A, %sub3A : i32
    %select_n3A = arith.select %and3A, %sub3A_16, %div3A : i32
    %rem3A_17 = arith.constant 2 : i32
    %rem3A_18 = arith.remsi %add3A, %rem3A_17 : i32
    %mul3A_19 = arith.constant 2 : i32
    %mul3A_20 = arith.muli %mul3A_19, %rem3A_18 : i32
    %dma_start3A = arith.constant 0 : i32
    %dma_start3A_21 = tpu.memref_slice %arg2[%select_n3A, %dma_start3A] : memref<16x16384xi32, #tpu.memory_space<hbm>> -> memref<1x16384xi32, #tpu.memory_space<hbm>>
    %dma_start3A_22 = tpu.memref_squeeze %dma_start3A_21 : memref<1x16384xi32, #tpu.memory_space<hbm>> -> memref<16384xi32, #tpu.memory_space<hbm>>
    %dma_start3A_23 = arith.constant 0 : i32
    %dma_start3A_24 = tpu.memref_slice %arg2[%select_n3A, %dma_start3A_23] : memref<16x16384xi32, #tpu.memory_space<hbm>> -> memref<1x16384xi32, #tpu.memory_space<hbm>>
    %dma_start3A_25 = tpu.memref_squeeze %dma_start3A_24 : memref<1x16384xi32, #tpu.memory_space<hbm>> -> memref<16384xi32, #tpu.memory_space<hbm>>
    tpu.enqueue_dma source(%dma_start3A_25 : memref<16384xi32, #tpu.memory_space<hbm>>) target(%arg8 : memref<16384xi32, #tpu.memory_space<vmem>>) target_semaphore(%arg13 : memref<!tpu.dma_semaphore, #tpu.memory_space<semaphore_mem>>)
    %dma_start3A_26 = arith.constant 0 : i32
    %dma_start3A_27 = tpu.memref_slice %arg3[%select_n3A, %dma_start3A_26] : memref<16x16384xi32, #tpu.memory_space<hbm>> -> memref<1x16384xi32, #tpu.memory_space<hbm>>
    %dma_start3A_28 = tpu.memref_squeeze %dma_start3A_27 : memref<1x16384xi32, #tpu.memory_space<hbm>> -> memref<16384xi32, #tpu.memory_space<hbm>>
    %dma_start3A_29 = arith.constant 0 : i32
    %dma_start3A_30 = tpu.memref_slice %arg3[%select_n3A, %dma_start3A_29] : memref<16x16384xi32, #tpu.memory_space<hbm>> -> memref<1x16384xi32, #tpu.memory_space<hbm>>
    %dma_start3A_31 = tpu.memref_squeeze %dma_start3A_30 : memref<1x16384xi32, #tpu.memory_space<hbm>> -> memref<16384xi32, #tpu.memory_space<hbm>>
    tpu.enqueue_dma source(%dma_start3A_31 : memref<16384xi32, #tpu.memory_space<hbm>>) target(%arg9 : memref<16384xi32, #tpu.memory_space<vmem>>) target_semaphore(%arg14 : memref<!tpu.dma_semaphore, #tpu.memory_space<semaphore_mem>>)
    %lt3A = arith.constant 8 : i32
    %lt3A_32 = arith.cmpi slt, %add3A, %lt3A : i32
    %convert_element_type3A = arith.extui %lt3A_32 : i1 to i32
    %cond3A = arith.constant 0 : i32
    %cond3A_33 = arith.cmpi ne, %convert_element_type3A, %cond3A : i32
    scf.if %cond3A_33 {
      %mul3A_84 = arith.constant 8 : i32
      %mul3A_85 = arith.muli %add3A, %mul3A_84 : i32
      "tpu.region"() ({
        %run_scoped3A = tpu.sem_alloc : memref<!tpu.dma_semaphore, #tpu.memory_space<semaphore_mem>>
        %dma_start3A_89 = tpu.memref_slice %arg4[%mul3A_85] : memref<64xi32, #tpu.memory_space<hbm>> -> memref<8xi32, #tpu.memory_space<hbm>>
        %dma_start3A_90 = tpu.memref_slice %arg4[%mul3A_85] : memref<64xi32, #tpu.memory_space<hbm>> -> memref<8xi32, #tpu.memory_space<hbm>>
        tpu.enqueue_dma source(%dma_start3A_90 : memref<8xi32, #tpu.memory_space<hbm>>) target(%arg11 : memref<8xi32, #tpu.memory_space<vmem>>) target_semaphore(%run_scoped3A : memref<!tpu.dma_semaphore, #tpu.memory_space<semaphore_mem>>)
        %dma_wait3A_91 = tpu.memref_slice %arg4[%mul3A_85] : memref<64xi32, #tpu.memory_space<hbm>> -> memref<8xi32, #tpu.memory_space<hbm>>
        %dma_wait3A_92 = tpu.memref_slice %arg4[%mul3A_85] : memref<64xi32, #tpu.memory_space<hbm>> -> memref<8xi32, #tpu.memory_space<hbm>>
        tpu.wait_dma2 semaphore(%run_scoped3A : memref<!tpu.dma_semaphore, #tpu.memory_space<semaphore_mem>>) src(%dma_wait3A_92 : memref<8xi32, #tpu.memory_space<hbm>>) dst(%arg11 : memref<8xi32, #tpu.memory_space<vmem>>)
        tpu.yield
      }) : () -> ()
      %dma_start3A_86 = arith.constant 0 : i32
      %dma_start3A_87 = arith.constant 0 : i32
      %dma_start3A_88 = tpu.memref_slice %arg5[%dma_start3A_86, %dma_start3A_87] : memref<130816x512xf32, #tpu.memory_space<hbm>> -> memref<130816x512xf32, #tpu.memory_space<hbm>>
      tpu.enqueue_indirect_dma source(%dma_start3A_88 : memref<130816x512xf32, #tpu.memory_space<hbm>>) target(%arg12 : memref<8x512xf32, #tpu.memory_space<vmem>>) offsets(%arg11 : memref<8xi32, #tpu.memory_space<vmem>>) semaphore(%arg15 : memref<!tpu.dma_semaphore, #tpu.memory_space<semaphore_mem>>)
    } else {
    }
    %broadcast_in_dim3A = arith.constant 0.000000e+00 : f32
    %broadcast_in_dim3A_34 = vector.broadcast %broadcast_in_dim3A : f32 to vector<16xf32>
    %broadcast_in_dim3A_35 = arith.constant 1.000000e+00 : f32
    %broadcast_in_dim3A_36 = vector.broadcast %broadcast_in_dim3A_35 : f32 to vector<16xf32>
    %scan3A = arith.constant 0 : i32
    %scan3A_37 = arith.constant 0 : i32
    %scan3A_38 = arith.constant 128 : i32
    %scan3A_39 = arith.addi %scan3A_37, %scan3A_38 : i32
    %scan3A_40 = arith.constant 1 : i32
    scf.for %scan3A_84 = %scan3A_37 to %scan3A_39 step %scan3A_40  : i32 {
      %swap3A = arith.index_cast %scan3A_84 : i32 to index
      %swap3A_85 = arith.constant 0 : index
      %swap3A_86 = tpu.vector_load %arg10[%swap3A, %swap3A_85] {strides = array<i32>} : memref<128x512xf32, #tpu.memory_space<vmem>>, vector<16xf32>,
      tpu.vector_store %arg10[%swap3A, %swap3A_85], %broadcast_in_dim3A_34 {strides = array<i32>} : memref<128x512xf32, #tpu.memory_space<vmem>>, vector<16xf32>,
      %swap3A_87 = arith.index_cast %scan3A_84 : i32 to index
      %swap3A_88 = arith.constant 16 : index
      %swap3A_89 = tpu.vector_load %arg10[%swap3A_87, %swap3A_88] {strides = array<i32>} : memref<128x512xf32, #tpu.memory_space<vmem>>, vector<16xf32>,
      tpu.vector_store %arg10[%swap3A_87, %swap3A_88], %broadcast_in_dim3A_34 {strides = array<i32>} : memref<128x512xf32, #tpu.memory_space<vmem>>, vector<16xf32>,
      %swap3A_90 = arith.index_cast %scan3A_84 : i32 to index
      %swap3A_91 = arith.constant 32 : index
      %swap3A_92 = tpu.vector_load %arg10[%swap3A_90, %swap3A_91] {strides = array<i32>} : memref<128x512xf32, #tpu.memory_space<vmem>>, vector<16xf32>,
      tpu.vector_store %arg10[%swap3A_90, %swap3A_91], %broadcast_in_dim3A_34 {strides = array<i32>} : memref<128x512xf32, #tpu.memory_space<vmem>>, vector<16xf32>,
      %swap3A_93 = arith.index_cast %scan3A_84 : i32 to index
      %swap3A_94 = arith.constant 48 : index
      %swap3A_95 = tpu.vector_load %arg10[%swap3A_93, %swap3A_94] {strides = array<i32>} : memref<128x512xf32, #tpu.memory_space<vmem>>, vector<16xf32>,
      tpu.vector_store %arg10[%swap3A_93, %swap3A_94], %broadcast_in_dim3A_34 {strides = array<i32>} : memref<128x512xf32, #tpu.memory_space<vmem>>, vector<16xf32>,
      %swap3A_96 = arith.index_cast %scan3A_84 : i32 to index
      %swap3A_97 = arith.constant 64 : index
      %swap3A_98 = tpu.vector_load %arg10[%swap3A_96, %swap3A_97] {strides = array<i32>} : memref<128x512xf32, #tpu.memory_space<vmem>>, vector<16xf32>,
      tpu.vector_store %arg10[%swap3A_96, %swap3A_97], %broadcast_in_dim3A_34 {strides = array<i32>} : memref<128x512xf32, #tpu.memory_space<vmem>>, vector<16xf32>,
      %swap3A_99 = arith.index_cast %scan3A_84 : i32 to index
      %swap3A_100 = arith.constant 80 : index
      %swap3A_101 = tpu.vector_load %arg10[%swap3A_99, %swap3A_100] {strides = array<i32>} : memref<128x512xf32, #tpu.memory_space<vmem>>, vector<16xf32>,
      tpu.vector_store %arg10[%swap3A_99, %swap3A_100], %broadcast_in_dim3A_34 {strides = array<i32>} : memref<128x512xf32, #tpu.memory_space<vmem>>, vector<16xf32>,
      %swap3A_102 = arith.index_cast %scan3A_84 : i32 to index
      %swap3A_103 = arith.constant 96 : index
      %swap3A_104 = tpu.vector_load %arg10[%swap3A_102, %swap3A_103] {strides = array<i32>} : memref<128x512xf32, #tpu.memory_space<vmem>>, vector<16xf32>,
      tpu.vector_store %arg10[%swap3A_102, %swap3A_103], %broadcast_in_dim3A_34 {strides = array<i32>} : memref<128x512xf32, #tpu.memory_space<vmem>>, vector<16xf32>,
      %swap3A_105 = arith.index_cast %scan3A_84 : i32 to index
      %swap3A_106 = arith.constant 112 : index
      %swap3A_107 = tpu.vector_load %arg10[%swap3A_105, %swap3A_106] {strides = array<i32>} : memref<128x512xf32, #tpu.memory_space<vmem>>, vector<16xf32>,
      tpu.vector_store %arg10[%swap3A_105, %swap3A_106], %broadcast_in_dim3A_34 {strides = array<i32>} : memref<128x512xf32, #tpu.memory_space<vmem>>, vector<16xf32>,
      %swap3A_108 = arith.index_cast %scan3A_84 : i32 to index
      %swap3A_109 = arith.constant 128 : index
      %swap3A_110 = tpu.vector_load %arg10[%swap3A_108, %swap3A_109] {strides = array<i32>} : memref<128x512xf32, #tpu.memory_space<vmem>>, vector<16xf32>,
      tpu.vector_store %arg10[%swap3A_108, %swap3A_109], %broadcast_in_dim3A_34 {strides = array<i32>} : memref<128x512xf32, #tpu.memory_space<vmem>>, vector<16xf32>,
      %swap3A_111 = arith.index_cast %scan3A_84 : i32 to index
      %swap3A_112 = arith.constant 144 : index
      %swap3A_113 = tpu.vector_load %arg10[%swap3A_111, %swap3A_112] {strides = array<i32>} : memref<128x512xf32, #tpu.memory_space<vmem>>, vector<16xf32>,
      tpu.vector_store %arg10[%swap3A_111, %swap3A_112], %broadcast_in_dim3A_34 {strides = array<i32>} : memref<128x512xf32, #tpu.memory_space<vmem>>, vector<16xf32>,
      %swap3A_114 = arith.index_cast %scan3A_84 : i32 to index
      %swap3A_115 = arith.constant 160 : index
      %swap3A_116 = tpu.vector_load %arg10[%swap3A_114, %swap3A_115] {strides = array<i32>} : memref<128x512xf32, #tpu.memory_space<vmem>>, vector<16xf32>,
      tpu.vector_store %arg10[%swap3A_114, %swap3A_115], %broadcast_in_dim3A_34 {strides = array<i32>} : memref<128x512xf32, #tpu.memory_space<vmem>>, vector<16xf32>,
      %swap3A_117 = arith.index_cast %scan3A_84 : i32 to index
      %swap3A_118 = arith.constant 176 : index
      %swap3A_119 = tpu.vector_load %arg10[%swap3A_117, %swap3A_118] {strides = array<i32>} : memref<128x512xf32, #tpu.memory_space<vmem>>, vector<16xf32>,
      tpu.vector_store %arg10[%swap3A_117, %swap3A_118], %broadcast_in_dim3A_34 {strides = array<i32>} : memref<128x512xf32, #tpu.memory_space<vmem>>, vector<16xf32>,
      %swap3A_120 = arith.index_cast %scan3A_84 : i32 to index
      %swap3A_121 = arith.constant 192 : index
      %swap3A_122 = tpu.vector_load %arg10[%swap3A_120, %swap3A_121] {strides = array<i32>} : memref<128x512xf32, #tpu.memory_space<vmem>>, vector<16xf32>,
      tpu.vector_store %arg10[%swap3A_120, %swap3A_121], %broadcast_in_dim3A_34 {strides = array<i32>} : memref<128x512xf32, #tpu.memory_space<vmem>>, vector<16xf32>,
      %swap3A_123 = arith.index_cast %scan3A_84 : i32 to index
      %swap3A_124 = arith.constant 208 : index
      %swap3A_125 = tpu.vector_load %arg10[%swap3A_123, %swap3A_124] {strides = array<i32>} : memref<128x512xf32, #tpu.memory_space<vmem>>, vector<16xf32>,
      tpu.vector_store %arg10[%swap3A_123, %swap3A_124], %broadcast_in_dim3A_34 {strides = array<i32>} : memref<128x512xf32, #tpu.memory_space<vmem>>, vector<16xf32>,
      %swap3A_126 = arith.index_cast %scan3A_84 : i32 to index
      %swap3A_127 = arith.constant 224 : index
      %swap3A_128 = tpu.vector_load %arg10[%swap3A_126, %swap3A_127] {strides = array<i32>} : memref<128x512xf32, #tpu.memory_space<vmem>>, vector<16xf32>,
      tpu.vector_store %arg10[%swap3A_126, %swap3A_127], %broadcast_in_dim3A_34 {strides = array<i32>} : memref<128x512xf32, #tpu.memory_space<vmem>>, vector<16xf32>,
      %swap3A_129 = arith.index_cast %scan3A_84 : i32 to index
      %swap3A_130 = arith.constant 240 : index
      %swap3A_131 = tpu.vector_load %arg10[%swap3A_129, %swap3A_130] {strides = array<i32>} : memref<128x512xf32, #tpu.memory_space<vmem>>, vector<16xf32>,
      tpu.vector_store %arg10[%swap3A_129, %swap3A_130], %broadcast_in_dim3A_34 {strides = array<i32>} : memref<128x512xf32, #tpu.memory_space<vmem>>, vector<16xf32>,
      %swap3A_132 = arith.index_cast %scan3A_84 : i32 to index
      %swap3A_133 = arith.constant 256 : index
      %swap3A_134 = tpu.vector_load %arg10[%swap3A_132, %swap3A_133] {strides = array<i32>} : memref<128x512xf32, #tpu.memory_space<vmem>>, vector<16xf32>,
      tpu.vector_store %arg10[%swap3A_132, %swap3A_133], %broadcast_in_dim3A_34 {strides = array<i32>} : memref<128x512xf32, #tpu.memory_space<vmem>>, vector<16xf32>,
      %swap3A_135 = arith.index_cast %scan3A_84 : i32 to index
      %swap3A_136 = arith.constant 272 : index
      %swap3A_137 = tpu.vector_load %arg10[%swap3A_135, %swap3A_136] {strides = array<i32>} : memref<128x512xf32, #tpu.memory_space<vmem>>, vector<16xf32>,
      tpu.vector_store %arg10[%swap3A_135, %swap3A_136], %broadcast_in_dim3A_34 {strides = array<i32>} : memref<128x512xf32, #tpu.memory_space<vmem>>, vector<16xf32>,
      %swap3A_138 = arith.index_cast %scan3A_84 : i32 to index
      %swap3A_139 = arith.constant 288 : index
      %swap3A_140 = tpu.vector_load %arg10[%swap3A_138, %swap3A_139] {strides = array<i32>} : memref<128x512xf32, #tpu.memory_space<vmem>>, vector<16xf32>,
      tpu.vector_store %arg10[%swap3A_138, %swap3A_139], %broadcast_in_dim3A_34 {strides = array<i32>} : memref<128x512xf32, #tpu.memory_space<vmem>>, vector<16xf32>,
      %swap3A_141 = arith.index_cast %scan3A_84 : i32 to index
      %swap3A_142 = arith.constant 304 : index
      %swap3A_143 = tpu.vector_load %arg10[%swap3A_141, %swap3A_142] {strides = array<i32>} : memref<128x512xf32, #tpu.memory_space<vmem>>, vector<16xf32>,
      tpu.vector_store %arg10[%swap3A_141, %swap3A_142], %broadcast_in_dim3A_34 {strides = array<i32>} : memref<128x512xf32, #tpu.memory_space<vmem>>, vector<16xf32>,
      %swap3A_144 = arith.index_cast %scan3A_84 : i32 to index
      %swap3A_145 = arith.constant 320 : index
      %swap3A_146 = tpu.vector_load %arg10[%swap3A_144, %swap3A_145] {strides = array<i32>} : memref<128x512xf32, #tpu.memory_space<vmem>>, vector<16xf32>,
      tpu.vector_store %arg10[%swap3A_144, %swap3A_145], %broadcast_in_dim3A_34 {strides = array<i32>} : memref<128x512xf32, #tpu.memory_space<vmem>>, vector<16xf32>,
      %swap3A_147 = arith.index_cast %scan3A_84 : i32 to index
      %swap3A_148 = arith.constant 336 : index
      %swap3A_149 = tpu.vector_load %arg10[%swap3A_147, %swap3A_148] {strides = array<i32>} : memref<128x512xf32, #tpu.memory_space<vmem>>, vector<16xf32>,
      tpu.vector_store %arg10[%swap3A_147, %swap3A_148], %broadcast_in_dim3A_34 {strides = array<i32>} : memref<128x512xf32, #tpu.memory_space<vmem>>, vector<16xf32>,
      %swap3A_150 = arith.index_cast %scan3A_84 : i32 to index
      %swap3A_151 = arith.constant 352 : index
      %swap3A_152 = tpu.vector_load %arg10[%swap3A_150, %swap3A_151] {strides = array<i32>} : memref<128x512xf32, #tpu.memory_space<vmem>>, vector<16xf32>,
      tpu.vector_store %arg10[%swap3A_150, %swap3A_151], %broadcast_in_dim3A_34 {strides = array<i32>} : memref<128x512xf32, #tpu.memory_space<vmem>>, vector<16xf32>,
      %swap3A_153 = arith.index_cast %scan3A_84 : i32 to index
      %swap3A_154 = arith.constant 368 : index
      %swap3A_155 = tpu.vector_load %arg10[%swap3A_153, %swap3A_154] {strides = array<i32>} : memref<128x512xf32, #tpu.memory_space<vmem>>, vector<16xf32>,
      tpu.vector_store %arg10[%swap3A_153, %swap3A_154], %broadcast_in_dim3A_34 {strides = array<i32>} : memref<128x512xf32, #tpu.memory_space<vmem>>, vector<16xf32>,
      %swap3A_156 = arith.index_cast %scan3A_84 : i32 to index
      %swap3A_157 = arith.constant 384 : index
      %swap3A_158 = tpu.vector_load %arg10[%swap3A_156, %swap3A_157] {strides = array<i32>} : memref<128x512xf32, #tpu.memory_space<vmem>>, vector<16xf32>,
      tpu.vector_store %arg10[%swap3A_156, %swap3A_157], %broadcast_in_dim3A_34 {strides = array<i32>} : memref<128x512xf32, #tpu.memory_space<vmem>>, vector<16xf32>,
      %swap3A_159 = arith.index_cast %scan3A_84 : i32 to index
      %swap3A_160 = arith.constant 400 : index
      %swap3A_161 = tpu.vector_load %arg10[%swap3A_159, %swap3A_160] {strides = array<i32>} : memref<128x512xf32, #tpu.memory_space<vmem>>, vector<16xf32>,
      tpu.vector_store %arg10[%swap3A_159, %swap3A_160], %broadcast_in_dim3A_34 {strides = array<i32>} : memref<128x512xf32, #tpu.memory_space<vmem>>, vector<16xf32>,
      %swap3A_162 = arith.index_cast %scan3A_84 : i32 to index
      %swap3A_163 = arith.constant 416 : index
      %swap3A_164 = tpu.vector_load %arg10[%swap3A_162, %swap3A_163] {strides = array<i32>} : memref<128x512xf32, #tpu.memory_space<vmem>>, vector<16xf32>,
      tpu.vector_store %arg10[%swap3A_162, %swap3A_163], %broadcast_in_dim3A_34 {strides = array<i32>} : memref<128x512xf32, #tpu.memory_space<vmem>>, vector<16xf32>,
      %swap3A_165 = arith.index_cast %scan3A_84 : i32 to index
      %swap3A_166 = arith.constant 432 : index
      %swap3A_167 = tpu.vector_load %arg10[%swap3A_165, %swap3A_166] {strides = array<i32>} : memref<128x512xf32, #tpu.memory_space<vmem>>, vector<16xf32>,
      tpu.vector_store %arg10[%swap3A_165, %swap3A_166], %broadcast_in_dim3A_34 {strides = array<i32>} : memref<128x512xf32, #tpu.memory_space<vmem>>, vector<16xf32>,
      %swap3A_168 = arith.index_cast %scan3A_84 : i32 to index
      %swap3A_169 = arith.constant 448 : index
      %swap3A_170 = tpu.vector_load %arg10[%swap3A_168, %swap3A_169] {strides = array<i32>} : memref<128x512xf32, #tpu.memory_space<vmem>>, vector<16xf32>,
      tpu.vector_store %arg10[%swap3A_168, %swap3A_169], %broadcast_in_dim3A_34 {strides = array<i32>} : memref<128x512xf32, #tpu.memory_space<vmem>>, vector<16xf32>,
      %swap3A_171 = arith.index_cast %scan3A_84 : i32 to index
      %swap3A_172 = arith.constant 464 : index
      %swap3A_173 = tpu.vector_load %arg10[%swap3A_171, %swap3A_172] {strides = array<i32>} : memref<128x512xf32, #tpu.memory_space<vmem>>, vector<16xf32>,
      tpu.vector_store %arg10[%swap3A_171, %swap3A_172], %broadcast_in_dim3A_34 {strides = array<i32>} : memref<128x512xf32, #tpu.memory_space<vmem>>, vector<16xf32>,
      %swap3A_174 = arith.index_cast %scan3A_84 : i32 to index
      %swap3A_175 = arith.constant 480 : index
      %swap3A_176 = tpu.vector_load %arg10[%swap3A_174, %swap3A_175] {strides = array<i32>} : memref<128x512xf32, #tpu.memory_space<vmem>>, vector<16xf32>,
      tpu.vector_store %arg10[%swap3A_174, %swap3A_175], %broadcast_in_dim3A_34 {strides = array<i32>} : memref<128x512xf32, #tpu.memory_space<vmem>>, vector<16xf32>,
      %swap3A_177 = arith.index_cast %scan3A_84 : i32 to index
      %swap3A_178 = arith.constant 496 : index
      %swap3A_179 = tpu.vector_load %arg10[%swap3A_177, %swap3A_178] {strides = array<i32>} : memref<128x512xf32, #tpu.memory_space<vmem>>, vector<16xf32>,
      tpu.vector_store %arg10[%swap3A_177, %swap3A_178], %broadcast_in_dim3A_34 {strides = array<i32>} : memref<128x512xf32, #tpu.memory_space<vmem>>, vector<16xf32>,
    }
    %scan3A_41 = arith.constant 128 : i32
    %dma_wait3A = arith.constant 0 : i32
    %dma_wait3A_42 = tpu.memref_slice %arg2[%select_n3A, %dma_wait3A] : memref<16x16384xi32, #tpu.memory_space<hbm>> -> memref<1x16384xi32, #tpu.memory_space<hbm>>
    %dma_wait3A_43 = tpu.memref_squeeze %dma_wait3A_42 : memref<1x16384xi32, #tpu.memory_space<hbm>> -> memref<16384xi32, #tpu.memory_space<hbm>>
    %dma_wait3A_44 = arith.constant 0 : i32
    %dma_wait3A_45 = tpu.memref_slice %arg2[%select_n3A, %dma_wait3A_44] : memref<16x16384xi32, #tpu.memory_space<hbm>> -> memref<1x16384xi32, #tpu.memory_space<hbm>>
    %dma_wait3A_46 = tpu.memref_squeeze %dma_wait3A_45 : memref<1x16384xi32, #tpu.memory_space<hbm>> -> memref<16384xi32, #tpu.memory_space<hbm>>
    tpu.wait_dma2 semaphore(%arg13 : memref<!tpu.dma_semaphore, #tpu.memory_space<semaphore_mem>>) src(%dma_wait3A_46 : memref<16384xi32, #tpu.memory_space<hbm>>) dst(%arg8 : memref<16384xi32, #tpu.memory_space<vmem>>)
    %dma_wait3A_47 = arith.constant 0 : i32
    %dma_wait3A_48 = tpu.memref_slice %arg3[%select_n3A, %dma_wait3A_47] : memref<16x16384xi32, #tpu.memory_space<hbm>> -> memref<1x16384xi32, #tpu.memory_space<hbm>>
    %dma_wait3A_49 = tpu.memref_squeeze %dma_wait3A_48 : memref<1x16384xi32, #tpu.memory_space<hbm>> -> memref<16384xi32, #tpu.memory_space<hbm>>
    %dma_wait3A_50 = arith.constant 0 : i32
    %dma_wait3A_51 = tpu.memref_slice %arg3[%select_n3A, %dma_wait3A_50] : memref<16x16384xi32, #tpu.memory_space<hbm>> -> memref<1x16384xi32, #tpu.memory_space<hbm>>
    %dma_wait3A_52 = tpu.memref_squeeze %dma_wait3A_51 : memref<1x16384xi32, #tpu.memory_space<hbm>> -> memref<16384xi32, #tpu.memory_space<hbm>>
    tpu.wait_dma2 semaphore(%arg14 : memref<!tpu.dma_semaphore, #tpu.memory_space<semaphore_mem>>) src(%dma_wait3A_52 : memref<16384xi32, #tpu.memory_space<hbm>>) dst(%arg9 : memref<16384xi32, #tpu.memory_space<vmem>>)
    %add3A_53 = arith.constant 0 : i32
    %add3A_54 = arith.addi %mul3A_20, %add3A_53 : i32
    %mul3A_55 = arith.constant 128 : i32
    %mul3A_56 = arith.muli %add3A_54, %mul3A_55 : i32
    %scan3A_57 = arith.constant 0 : i32
    %scan3A_58 = arith.constant 0 : i32
    %scan3A_59 = arith.constant 128 : i32
    %scan3A_60 = arith.addi %scan3A_58, %scan3A_59 : i32
    %scan3A_61 = arith.constant 1 : i32
    scf.for %scan3A_84 = %scan3A_58 to %scan3A_60 step %scan3A_61  : i32 {
      %mul3A_85 = arith.constant 128 : i32
      %mul3A_86 = arith.muli %scan3A_84, %mul3A_85 : i32
      %add3A_87 = arith.constant 0 : i32
      %add3A_88 = arith.addi %mul3A_86, %add3A_87 : i32
      %get3A = arith.index_cast %add3A_88 : i32 to index
      %get3A_89 = tpu.vector_load %arg8[%get3A] {strides = array<i32>} : memref<16384xi32, #tpu.memory_space<vmem>>, vector<16xi32>,
      %get3A_90 = arith.index_cast %add3A_88 : i32 to index
      %get3A_91 = tpu.vector_load %arg9[%get3A_90] {strides = array<i32>} : memref<16384xi32, #tpu.memory_space<vmem>>, vector<16xi32>,
      %sub3A_92 = vector.broadcast %mul3A_56 : i32 to vector<16xi32>
      %sub3A_93 = arith.subi %get3A_91, %sub3A_92 : vector<16xi32>
      %lt3A_94 = arith.constant 128 : i32
      %lt3A_95 = vector.broadcast %lt3A_94 : i32 to vector<16xi32>
      %lt3A_96 = arith.cmpi ult, %sub3A_93, %lt3A_95 : vector<16xi32>
      %jit3A_97 = arith.constant 0 : i32
      %broadcast_in_dim3A_98 = vector.broadcast %jit3A_97 : i32 to vector<16xi32>
      %select_n3A_99 = arith.select %lt3A_96, %sub3A_93, %broadcast_in_dim3A_98 : vector<16xi1>, vector<16xi32>
      %jit3A_100 = arith.constant 0.000000e+00 : f32
      %broadcast_in_dim3A_101 = vector.broadcast %jit3A_100 : f32 to vector<16xf32>
      %select_n3A_102 = arith.select %lt3A_96, %broadcast_in_dim3A_36, %broadcast_in_dim3A_101 : vector<16xi1>, vector<16xf32>
      tpu.vector_store_idx %arg10[%select_n3A_99, %get3A_89], %select_n3A_102 {add = true} : memref<128x512xf32, #tpu.memory_space<vmem>>[vector<16xi32>, vector<16xi32>], vector<16xf32>,
      %mul3A_103 = arith.constant 128 : i32
      %mul3A_104 = arith.muli %scan3A_84, %mul3A_103 : i32
      %add3A_105 = arith.constant 16 : i32
      %add3A_106 = arith.addi %mul3A_104, %add3A_105 : i32
      %get3A_107 = arith.index_cast %add3A_106 : i32 to index
      %get3A_108 = tpu.vector_load %arg8[%get3A_107] {strides = array<i32>} : memref<16384xi32, #tpu.memory_space<vmem>>, vector<16xi32>,
      %get3A_109 = arith.index_cast %add3A_106 : i32 to index
      %get3A_110 = tpu.vector_load %arg9[%get3A_109] {strides = array<i32>} : memref<16384xi32, #tpu.memory_space<vmem>>, vector<16xi32>,
      %sub3A_111 = vector.broadcast %mul3A_56 : i32 to vector<16xi32>
      %sub3A_112 = arith.subi %get3A_110, %sub3A_111 : vector<16xi32>
      %lt3A_113 = arith.constant 128 : i32
      %lt3A_114 = vector.broadcast %lt3A_113 : i32 to vector<16xi32>
      %lt3A_115 = arith.cmpi ult, %sub3A_112, %lt3A_114 : vector<16xi32>
      %jit3A_116 = arith.constant 0 : i32
      %broadcast_in_dim3A_117 = vector.broadcast %jit3A_116 : i32 to vector<16xi32>
      %select_n3A_118 = arith.select %lt3A_115, %sub3A_112, %broadcast_in_dim3A_117 : vector<16xi1>, vector<16xi32>
      %jit3A_119 = arith.constant 0.000000e+00 : f32
      %broadcast_in_dim3A_120 = vector.broadcast %jit3A_119 : f32 to vector<16xf32>
      %select_n3A_121 = arith.select %lt3A_115, %broadcast_in_dim3A_36, %broadcast_in_dim3A_120 : vector<16xi1>, vector<16xf32>
      tpu.vector_store_idx %arg10[%select_n3A_118, %get3A_108], %select_n3A_121 {add = true} : memref<128x512xf32, #tpu.memory_space<vmem>>[vector<16xi32>, vector<16xi32>], vector<16xf32>,
      %mul3A_122 = arith.constant 128 : i32
      %mul3A_123 = arith.muli %scan3A_84, %mul3A_122 : i32
      %add3A_124 = arith.constant 32 : i32
      %add3A_125 = arith.addi %mul3A_123, %add3A_124 : i32
      %get3A_126 = arith.index_cast %add3A_125 : i32 to index
      %get3A_127 = tpu.vector_load %arg8[%get3A_126] {strides = array<i32>} : memref<16384xi32, #tpu.memory_space<vmem>>, vector<16xi32>,
      %get3A_128 = arith.index_cast %add3A_125 : i32 to index
      %get3A_129 = tpu.vector_load %arg9[%get3A_128] {strides = array<i32>} : memref<16384xi32, #tpu.memory_space<vmem>>, vector<16xi32>,
      %sub3A_130 = vector.broadcast %mul3A_56 : i32 to vector<16xi32>
      %sub3A_131 = arith.subi %get3A_129, %sub3A_130 : vector<16xi32>
      %lt3A_132 = arith.constant 128 : i32
      %lt3A_133 = vector.broadcast %lt3A_132 : i32 to vector<16xi32>
      %lt3A_134 = arith.cmpi ult, %sub3A_131, %lt3A_133 : vector<16xi32>
      %jit3A_135 = arith.constant 0 : i32
      %broadcast_in_dim3A_136 = vector.broadcast %jit3A_135 : i32 to vector<16xi32>
      %select_n3A_137 = arith.select %lt3A_134, %sub3A_131, %broadcast_in_dim3A_136 : vector<16xi1>, vector<16xi32>
      %jit3A_138 = arith.constant 0.000000e+00 : f32
      %broadcast_in_dim3A_139 = vector.broadcast %jit3A_138 : f32 to vector<16xf32>
      %select_n3A_140 = arith.select %lt3A_134, %broadcast_in_dim3A_36, %broadcast_in_dim3A_139 : vector<16xi1>, vector<16xf32>
      tpu.vector_store_idx %arg10[%select_n3A_137, %get3A_127], %select_n3A_140 {add = true} : memref<128x512xf32, #tpu.memory_space<vmem>>[vector<16xi32>, vector<16xi32>], vector<16xf32>,
      %mul3A_141 = arith.constant 128 : i32
      %mul3A_142 = arith.muli %scan3A_84, %mul3A_141 : i32
      %add3A_143 = arith.constant 48 : i32
      %add3A_144 = arith.addi %mul3A_142, %add3A_143 : i32
      %get3A_145 = arith.index_cast %add3A_144 : i32 to index
      %get3A_146 = tpu.vector_load %arg8[%get3A_145] {strides = array<i32>} : memref<16384xi32, #tpu.memory_space<vmem>>, vector<16xi32>,
      %get3A_147 = arith.index_cast %add3A_144 : i32 to index
      %get3A_148 = tpu.vector_load %arg9[%get3A_147] {strides = array<i32>} : memref<16384xi32, #tpu.memory_space<vmem>>, vector<16xi32>,
      %sub3A_149 = vector.broadcast %mul3A_56 : i32 to vector<16xi32>
      %sub3A_150 = arith.subi %get3A_148, %sub3A_149 : vector<16xi32>
      %lt3A_151 = arith.constant 128 : i32
      %lt3A_152 = vector.broadcast %lt3A_151 : i32 to vector<16xi32>
      %lt3A_153 = arith.cmpi ult, %sub3A_150, %lt3A_152 : vector<16xi32>
      %jit3A_154 = arith.constant 0 : i32
      %broadcast_in_dim3A_155 = vector.broadcast %jit3A_154 : i32 to vector<16xi32>
      %select_n3A_156 = arith.select %lt3A_153, %sub3A_150, %broadcast_in_dim3A_155 : vector<16xi1>, vector<16xi32>
      %jit3A_157 = arith.constant 0.000000e+00 : f32
      %broadcast_in_dim3A_158 = vector.broadcast %jit3A_157 : f32 to vector<16xf32>
      %select_n3A_159 = arith.select %lt3A_153, %broadcast_in_dim3A_36, %broadcast_in_dim3A_158 : vector<16xi1>, vector<16xf32>
      tpu.vector_store_idx %arg10[%select_n3A_156, %get3A_146], %select_n3A_159 {add = true} : memref<128x512xf32, #tpu.memory_space<vmem>>[vector<16xi32>, vector<16xi32>], vector<16xf32>,
      %mul3A_160 = arith.constant 128 : i32
      %mul3A_161 = arith.muli %scan3A_84, %mul3A_160 : i32
      %add3A_162 = arith.constant 64 : i32
      %add3A_163 = arith.addi %mul3A_161, %add3A_162 : i32
      %get3A_164 = arith.index_cast %add3A_163 : i32 to index
      %get3A_165 = tpu.vector_load %arg8[%get3A_164] {strides = array<i32>} : memref<16384xi32, #tpu.memory_space<vmem>>, vector<16xi32>,
      %get3A_166 = arith.index_cast %add3A_163 : i32 to index
      %get3A_167 = tpu.vector_load %arg9[%get3A_166] {strides = array<i32>} : memref<16384xi32, #tpu.memory_space<vmem>>, vector<16xi32>,
      %sub3A_168 = vector.broadcast %mul3A_56 : i32 to vector<16xi32>
      %sub3A_169 = arith.subi %get3A_167, %sub3A_168 : vector<16xi32>
      %lt3A_170 = arith.constant 128 : i32
      %lt3A_171 = vector.broadcast %lt3A_170 : i32 to vector<16xi32>
      %lt3A_172 = arith.cmpi ult, %sub3A_169, %lt3A_171 : vector<16xi32>
      %jit3A_173 = arith.constant 0 : i32
      %broadcast_in_dim3A_174 = vector.broadcast %jit3A_173 : i32 to vector<16xi32>
      %select_n3A_175 = arith.select %lt3A_172, %sub3A_169, %broadcast_in_dim3A_174 : vector<16xi1>, vector<16xi32>
      %jit3A_176 = arith.constant 0.000000e+00 : f32
      %broadcast_in_dim3A_177 = vector.broadcast %jit3A_176 : f32 to vector<16xf32>
      %select_n3A_178 = arith.select %lt3A_172, %broadcast_in_dim3A_36, %broadcast_in_dim3A_177 : vector<16xi1>, vector<16xf32>
      tpu.vector_store_idx %arg10[%select_n3A_175, %get3A_165], %select_n3A_178 {add = true} : memref<128x512xf32, #tpu.memory_space<vmem>>[vector<16xi32>, vector<16xi32>], vector<16xf32>,
      %mul3A_179 = arith.constant 128 : i32
      %mul3A_180 = arith.muli %scan3A_84, %mul3A_179 : i32
      %add3A_181 = arith.constant 80 : i32
      %add3A_182 = arith.addi %mul3A_180, %add3A_181 : i32
      %get3A_183 = arith.index_cast %add3A_182 : i32 to index
      %get3A_184 = tpu.vector_load %arg8[%get3A_183] {strides = array<i32>} : memref<16384xi32, #tpu.memory_space<vmem>>, vector<16xi32>,
      %get3A_185 = arith.index_cast %add3A_182 : i32 to index
      %get3A_186 = tpu.vector_load %arg9[%get3A_185] {strides = array<i32>} : memref<16384xi32, #tpu.memory_space<vmem>>, vector<16xi32>,
      %sub3A_187 = vector.broadcast %mul3A_56 : i32 to vector<16xi32>
      %sub3A_188 = arith.subi %get3A_186, %sub3A_187 : vector<16xi32>
      %lt3A_189 = arith.constant 128 : i32
      %lt3A_190 = vector.broadcast %lt3A_189 : i32 to vector<16xi32>
      %lt3A_191 = arith.cmpi ult, %sub3A_188, %lt3A_190 : vector<16xi32>
      %jit3A_192 = arith.constant 0 : i32
      %broadcast_in_dim3A_193 = vector.broadcast %jit3A_192 : i32 to vector<16xi32>
      %select_n3A_194 = arith.select %lt3A_191, %sub3A_188, %broadcast_in_dim3A_193 : vector<16xi1>, vector<16xi32>
      %jit3A_195 = arith.constant 0.000000e+00 : f32
      %broadcast_in_dim3A_196 = vector.broadcast %jit3A_195 : f32 to vector<16xf32>
      %select_n3A_197 = arith.select %lt3A_191, %broadcast_in_dim3A_36, %broadcast_in_dim3A_196 : vector<16xi1>, vector<16xf32>
      tpu.vector_store_idx %arg10[%select_n3A_194, %get3A_184], %select_n3A_197 {add = true} : memref<128x512xf32, #tpu.memory_space<vmem>>[vector<16xi32>, vector<16xi32>], vector<16xf32>,
      %mul3A_198 = arith.constant 128 : i32
      %mul3A_199 = arith.muli %scan3A_84, %mul3A_198 : i32
      %add3A_200 = arith.constant 96 : i32
      %add3A_201 = arith.addi %mul3A_199, %add3A_200 : i32
      %get3A_202 = arith.index_cast %add3A_201 : i32 to index
      %get3A_203 = tpu.vector_load %arg8[%get3A_202] {strides = array<i32>} : memref<16384xi32, #tpu.memory_space<vmem>>, vector<16xi32>,
      %get3A_204 = arith.index_cast %add3A_201 : i32 to index
      %get3A_205 = tpu.vector_load %arg9[%get3A_204] {strides = array<i32>} : memref<16384xi32, #tpu.memory_space<vmem>>, vector<16xi32>,
      %sub3A_206 = vector.broadcast %mul3A_56 : i32 to vector<16xi32>
      %sub3A_207 = arith.subi %get3A_205, %sub3A_206 : vector<16xi32>
      %lt3A_208 = arith.constant 128 : i32
      %lt3A_209 = vector.broadcast %lt3A_208 : i32 to vector<16xi32>
      %lt3A_210 = arith.cmpi ult, %sub3A_207, %lt3A_209 : vector<16xi32>
      %jit3A_211 = arith.constant 0 : i32
      %broadcast_in_dim3A_212 = vector.broadcast %jit3A_211 : i32 to vector<16xi32>
      %select_n3A_213 = arith.select %lt3A_210, %sub3A_207, %broadcast_in_dim3A_212 : vector<16xi1>, vector<16xi32>
      %jit3A_214 = arith.constant 0.000000e+00 : f32
      %broadcast_in_dim3A_215 = vector.broadcast %jit3A_214 : f32 to vector<16xf32>
      %select_n3A_216 = arith.select %lt3A_210, %broadcast_in_dim3A_36, %broadcast_in_dim3A_215 : vector<16xi1>, vector<16xf32>
      tpu.vector_store_idx %arg10[%select_n3A_213, %get3A_203], %select_n3A_216 {add = true} : memref<128x512xf32, #tpu.memory_space<vmem>>[vector<16xi32>, vector<16xi32>], vector<16xf32>,
      %mul3A_217 = arith.constant 128 : i32
      %mul3A_218 = arith.muli %scan3A_84, %mul3A_217 : i32
      %add3A_219 = arith.constant 112 : i32
      %add3A_220 = arith.addi %mul3A_218, %add3A_219 : i32
      %get3A_221 = arith.index_cast %add3A_220 : i32 to index
      %get3A_222 = tpu.vector_load %arg8[%get3A_221] {strides = array<i32>} : memref<16384xi32, #tpu.memory_space<vmem>>, vector<16xi32>,
      %get3A_223 = arith.index_cast %add3A_220 : i32 to index
      %get3A_224 = tpu.vector_load %arg9[%get3A_223] {strides = array<i32>} : memref<16384xi32, #tpu.memory_space<vmem>>, vector<16xi32>,
      %sub3A_225 = vector.broadcast %mul3A_56 : i32 to vector<16xi32>
      %sub3A_226 = arith.subi %get3A_224, %sub3A_225 : vector<16xi32>
      %lt3A_227 = arith.constant 128 : i32
      %lt3A_228 = vector.broadcast %lt3A_227 : i32 to vector<16xi32>
      %lt3A_229 = arith.cmpi ult, %sub3A_226, %lt3A_228 : vector<16xi32>
      %jit3A_230 = arith.constant 0 : i32
      %broadcast_in_dim3A_231 = vector.broadcast %jit3A_230 : i32 to vector<16xi32>
      %select_n3A_232 = arith.select %lt3A_229, %sub3A_226, %broadcast_in_dim3A_231 : vector<16xi1>, vector<16xi32>
      %jit3A_233 = arith.constant 0.000000e+00 : f32
      %broadcast_in_dim3A_234 = vector.broadcast %jit3A_233 : f32 to vector<16xf32>
      %select_n3A_235 = arith.select %lt3A_229, %broadcast_in_dim3A_36, %broadcast_in_dim3A_234 : vector<16xi1>, vector<16xf32>
      tpu.vector_store_idx %arg10[%select_n3A_232, %get3A_222], %select_n3A_235 {add = true} : memref<128x512xf32, #tpu.memory_space<vmem>>[vector<16xi32>, vector<16xi32>], vector<16xf32>,
    }
    %scan3A_62 = arith.constant 128 : i32
    "tpu.region"() ({
      %run_scoped3A = tpu.sem_alloc : memref<!tpu.dma_semaphore, #tpu.memory_space<semaphore_mem>>
      %dma_start3A_84 = arith.constant 0 : i32
      %dma_start3A_85 = tpu.memref_slice %arg6[%select_n3A, %mul3A_56, %dma_start3A_84] : memref<16x512x512xf32, #tpu.memory_space<hbm>> -> memref<1x128x512xf32, #tpu.memory_space<hbm>>
      %dma_start3A_86 = tpu.memref_squeeze %dma_start3A_85 : memref<1x128x512xf32, #tpu.memory_space<hbm>> -> memref<128x512xf32, #tpu.memory_space<hbm>>
      %dma_start3A_87 = arith.constant 0 : i32
      %dma_start3A_88 = tpu.memref_slice %arg6[%select_n3A, %mul3A_56, %dma_start3A_87] : memref<16x512x512xf32, #tpu.memory_space<hbm>> -> memref<1x128x512xf32, #tpu.memory_space<hbm>>
      %dma_start3A_89 = tpu.memref_squeeze %dma_start3A_88 : memref<1x128x512xf32, #tpu.memory_space<hbm>> -> memref<128x512xf32, #tpu.memory_space<hbm>>
      tpu.enqueue_dma source(%arg10 : memref<128x512xf32, #tpu.memory_space<vmem>>) target(%dma_start3A_89 : memref<128x512xf32, #tpu.memory_space<hbm>>) target_semaphore(%run_scoped3A : memref<!tpu.dma_semaphore, #tpu.memory_space<semaphore_mem>>)
      %dma_wait3A_90 = arith.constant 0 : i32
      %dma_wait3A_91 = tpu.memref_slice %arg6[%select_n3A, %mul3A_56, %dma_wait3A_90] : memref<16x512x512xf32, #tpu.memory_space<hbm>> -> memref<1x128x512xf32, #tpu.memory_space<hbm>>
      %dma_wait3A_92 = tpu.memref_squeeze %dma_wait3A_91 : memref<1x128x512xf32, #tpu.memory_space<hbm>> -> memref<128x512xf32, #tpu.memory_space<hbm>>
      %dma_wait3A_93 = arith.constant 0 : i32
      %dma_wait3A_94 = tpu.memref_slice %arg6[%select_n3A, %mul3A_56, %dma_wait3A_93] : memref<16x512x512xf32, #tpu.memory_space<hbm>> -> memref<1x128x512xf32, #tpu.memory_space<hbm>>
      %dma_wait3A_95 = tpu.memref_squeeze %dma_wait3A_94 : memref<1x128x512xf32, #tpu.memory_space<hbm>> -> memref<128x512xf32, #tpu.memory_space<hbm>>
      tpu.wait_dma2 semaphore(%run_scoped3A : memref<!tpu.dma_semaphore, #tpu.memory_space<semaphore_mem>>) src(%arg10 : memref<128x512xf32, #tpu.memory_space<vmem>>) dst(%dma_wait3A_95 : memref<128x512xf32, #tpu.memory_space<hbm>>)
      tpu.yield
    }) : () -> ()
    %add3A_63 = arith.constant 1 : i32
    %add3A_64 = arith.addi %mul3A_20, %add3A_63 : i32
    %mul3A_65 = arith.constant 128 : i32
    %mul3A_66 = arith.muli %add3A_64, %mul3A_65 : i32
    %scan3A_67 = arith.constant 0 : i32
    %scan3A_68 = arith.constant 0 : i32
    %scan3A_69 = arith.constant 128 : i32
    %scan3A_70 = arith.addi %scan3A_68, %scan3A_69 : i32
    %scan3A_71 = arith.constant 1 : i32
    scf.for %scan3A_84 = %scan3A_68 to %scan3A_70 step %scan3A_71  : i32 {
      %swap3A = arith.index_cast %scan3A_84 : i32 to index
      %swap3A_85 = arith.constant 0 : index
      %swap3A_86 = tpu.vector_load %arg10[%swap3A, %swap3A_85] {strides = array<i32>} : memref<128x512xf32, #tpu.memory_space<vmem>>, vector<16xf32>,
      tpu.vector_store %arg10[%swap3A, %swap3A_85], %broadcast_in_dim3A_34 {strides = array<i32>} : memref<128x512xf32, #tpu.memory_space<vmem>>, vector<16xf32>,
      %swap3A_87 = arith.index_cast %scan3A_84 : i32 to index
      %swap3A_88 = arith.constant 16 : index
      %swap3A_89 = tpu.vector_load %arg10[%swap3A_87, %swap3A_88] {strides = array<i32>} : memref<128x512xf32, #tpu.memory_space<vmem>>, vector<16xf32>,
      tpu.vector_store %arg10[%swap3A_87, %swap3A_88], %broadcast_in_dim3A_34 {strides = array<i32>} : memref<128x512xf32, #tpu.memory_space<vmem>>, vector<16xf32>,
      %swap3A_90 = arith.index_cast %scan3A_84 : i32 to index
      %swap3A_91 = arith.constant 32 : index
      %swap3A_92 = tpu.vector_load %arg10[%swap3A_90, %swap3A_91] {strides = array<i32>} : memref<128x512xf32, #tpu.memory_space<vmem>>, vector<16xf32>,
      tpu.vector_store %arg10[%swap3A_90, %swap3A_91], %broadcast_in_dim3A_34 {strides = array<i32>} : memref<128x512xf32, #tpu.memory_space<vmem>>, vector<16xf32>,
      %swap3A_93 = arith.index_cast %scan3A_84 : i32 to index
      %swap3A_94 = arith.constant 48 : index
      %swap3A_95 = tpu.vector_load %arg10[%swap3A_93, %swap3A_94] {strides = array<i32>} : memref<128x512xf32, #tpu.memory_space<vmem>>, vector<16xf32>,
      tpu.vector_store %arg10[%swap3A_93, %swap3A_94], %broadcast_in_dim3A_34 {strides = array<i32>} : memref<128x512xf32, #tpu.memory_space<vmem>>, vector<16xf32>,
      %swap3A_96 = arith.index_cast %scan3A_84 : i32 to index
      %swap3A_97 = arith.constant 64 : index
      %swap3A_98 = tpu.vector_load %arg10[%swap3A_96, %swap3A_97] {strides = array<i32>} : memref<128x512xf32, #tpu.memory_space<vmem>>, vector<16xf32>,
      tpu.vector_store %arg10[%swap3A_96, %swap3A_97], %broadcast_in_dim3A_34 {strides = array<i32>} : memref<128x512xf32, #tpu.memory_space<vmem>>, vector<16xf32>,
      %swap3A_99 = arith.index_cast %scan3A_84 : i32 to index
      %swap3A_100 = arith.constant 80 : index
      %swap3A_101 = tpu.vector_load %arg10[%swap3A_99, %swap3A_100] {strides = array<i32>} : memref<128x512xf32, #tpu.memory_space<vmem>>, vector<16xf32>,
      tpu.vector_store %arg10[%swap3A_99, %swap3A_100], %broadcast_in_dim3A_34 {strides = array<i32>} : memref<128x512xf32, #tpu.memory_space<vmem>>, vector<16xf32>,
      %swap3A_102 = arith.index_cast %scan3A_84 : i32 to index
      %swap3A_103 = arith.constant 96 : index
      %swap3A_104 = tpu.vector_load %arg10[%swap3A_102, %swap3A_103] {strides = array<i32>} : memref<128x512xf32, #tpu.memory_space<vmem>>, vector<16xf32>,
      tpu.vector_store %arg10[%swap3A_102, %swap3A_103], %broadcast_in_dim3A_34 {strides = array<i32>} : memref<128x512xf32, #tpu.memory_space<vmem>>, vector<16xf32>,
      %swap3A_105 = arith.index_cast %scan3A_84 : i32 to index
      %swap3A_106 = arith.constant 112 : index
      %swap3A_107 = tpu.vector_load %arg10[%swap3A_105, %swap3A_106] {strides = array<i32>} : memref<128x512xf32, #tpu.memory_space<vmem>>, vector<16xf32>,
      tpu.vector_store %arg10[%swap3A_105, %swap3A_106], %broadcast_in_dim3A_34 {strides = array<i32>} : memref<128x512xf32, #tpu.memory_space<vmem>>, vector<16xf32>,
      %swap3A_108 = arith.index_cast %scan3A_84 : i32 to index
      %swap3A_109 = arith.constant 128 : index
      %swap3A_110 = tpu.vector_load %arg10[%swap3A_108, %swap3A_109] {strides = array<i32>} : memref<128x512xf32, #tpu.memory_space<vmem>>, vector<16xf32>,
      tpu.vector_store %arg10[%swap3A_108, %swap3A_109], %broadcast_in_dim3A_34 {strides = array<i32>} : memref<128x512xf32, #tpu.memory_space<vmem>>, vector<16xf32>,
      %swap3A_111 = arith.index_cast %scan3A_84 : i32 to index
      %swap3A_112 = arith.constant 144 : index
      %swap3A_113 = tpu.vector_load %arg10[%swap3A_111, %swap3A_112] {strides = array<i32>} : memref<128x512xf32, #tpu.memory_space<vmem>>, vector<16xf32>,
      tpu.vector_store %arg10[%swap3A_111, %swap3A_112], %broadcast_in_dim3A_34 {strides = array<i32>} : memref<128x512xf32, #tpu.memory_space<vmem>>, vector<16xf32>,
      %swap3A_114 = arith.index_cast %scan3A_84 : i32 to index
      %swap3A_115 = arith.constant 160 : index
      %swap3A_116 = tpu.vector_load %arg10[%swap3A_114, %swap3A_115] {strides = array<i32>} : memref<128x512xf32, #tpu.memory_space<vmem>>, vector<16xf32>,
      tpu.vector_store %arg10[%swap3A_114, %swap3A_115], %broadcast_in_dim3A_34 {strides = array<i32>} : memref<128x512xf32, #tpu.memory_space<vmem>>, vector<16xf32>,
      %swap3A_117 = arith.index_cast %scan3A_84 : i32 to index
      %swap3A_118 = arith.constant 176 : index
      %swap3A_119 = tpu.vector_load %arg10[%swap3A_117, %swap3A_118] {strides = array<i32>} : memref<128x512xf32, #tpu.memory_space<vmem>>, vector<16xf32>,
      tpu.vector_store %arg10[%swap3A_117, %swap3A_118], %broadcast_in_dim3A_34 {strides = array<i32>} : memref<128x512xf32, #tpu.memory_space<vmem>>, vector<16xf32>,
      %swap3A_120 = arith.index_cast %scan3A_84 : i32 to index
      %swap3A_121 = arith.constant 192 : index
      %swap3A_122 = tpu.vector_load %arg10[%swap3A_120, %swap3A_121] {strides = array<i32>} : memref<128x512xf32, #tpu.memory_space<vmem>>, vector<16xf32>,
      tpu.vector_store %arg10[%swap3A_120, %swap3A_121], %broadcast_in_dim3A_34 {strides = array<i32>} : memref<128x512xf32, #tpu.memory_space<vmem>>, vector<16xf32>,
      %swap3A_123 = arith.index_cast %scan3A_84 : i32 to index
      %swap3A_124 = arith.constant 208 : index
      %swap3A_125 = tpu.vector_load %arg10[%swap3A_123, %swap3A_124] {strides = array<i32>} : memref<128x512xf32, #tpu.memory_space<vmem>>, vector<16xf32>,
      tpu.vector_store %arg10[%swap3A_123, %swap3A_124], %broadcast_in_dim3A_34 {strides = array<i32>} : memref<128x512xf32, #tpu.memory_space<vmem>>, vector<16xf32>,
      %swap3A_126 = arith.index_cast %scan3A_84 : i32 to index
      %swap3A_127 = arith.constant 224 : index
      %swap3A_128 = tpu.vector_load %arg10[%swap3A_126, %swap3A_127] {strides = array<i32>} : memref<128x512xf32, #tpu.memory_space<vmem>>, vector<16xf32>,
      tpu.vector_store %arg10[%swap3A_126, %swap3A_127], %broadcast_in_dim3A_34 {strides = array<i32>} : memref<128x512xf32, #tpu.memory_space<vmem>>, vector<16xf32>,
      %swap3A_129 = arith.index_cast %scan3A_84 : i32 to index
      %swap3A_130 = arith.constant 240 : index
      %swap3A_131 = tpu.vector_load %arg10[%swap3A_129, %swap3A_130] {strides = array<i32>} : memref<128x512xf32, #tpu.memory_space<vmem>>, vector<16xf32>,
      tpu.vector_store %arg10[%swap3A_129, %swap3A_130], %broadcast_in_dim3A_34 {strides = array<i32>} : memref<128x512xf32, #tpu.memory_space<vmem>>, vector<16xf32>,
      %swap3A_132 = arith.index_cast %scan3A_84 : i32 to index
      %swap3A_133 = arith.constant 256 : index
      %swap3A_134 = tpu.vector_load %arg10[%swap3A_132, %swap3A_133] {strides = array<i32>} : memref<128x512xf32, #tpu.memory_space<vmem>>, vector<16xf32>,
      tpu.vector_store %arg10[%swap3A_132, %swap3A_133], %broadcast_in_dim3A_34 {strides = array<i32>} : memref<128x512xf32, #tpu.memory_space<vmem>>, vector<16xf32>,
      %swap3A_135 = arith.index_cast %scan3A_84 : i32 to index
      %swap3A_136 = arith.constant 272 : index
      %swap3A_137 = tpu.vector_load %arg10[%swap3A_135, %swap3A_136] {strides = array<i32>} : memref<128x512xf32, #tpu.memory_space<vmem>>, vector<16xf32>,
      tpu.vector_store %arg10[%swap3A_135, %swap3A_136], %broadcast_in_dim3A_34 {strides = array<i32>} : memref<128x512xf32, #tpu.memory_space<vmem>>, vector<16xf32>,
      %swap3A_138 = arith.index_cast %scan3A_84 : i32 to index
      %swap3A_139 = arith.constant 288 : index
      %swap3A_140 = tpu.vector_load %arg10[%swap3A_138, %swap3A_139] {strides = array<i32>} : memref<128x512xf32, #tpu.memory_space<vmem>>, vector<16xf32>,
      tpu.vector_store %arg10[%swap3A_138, %swap3A_139], %broadcast_in_dim3A_34 {strides = array<i32>} : memref<128x512xf32, #tpu.memory_space<vmem>>, vector<16xf32>,
      %swap3A_141 = arith.index_cast %scan3A_84 : i32 to index
      %swap3A_142 = arith.constant 304 : index
      %swap3A_143 = tpu.vector_load %arg10[%swap3A_141, %swap3A_142] {strides = array<i32>} : memref<128x512xf32, #tpu.memory_space<vmem>>, vector<16xf32>,
      tpu.vector_store %arg10[%swap3A_141, %swap3A_142], %broadcast_in_dim3A_34 {strides = array<i32>} : memref<128x512xf32, #tpu.memory_space<vmem>>, vector<16xf32>,
      %swap3A_144 = arith.index_cast %scan3A_84 : i32 to index
      %swap3A_145 = arith.constant 320 : index
      %swap3A_146 = tpu.vector_load %arg10[%swap3A_144, %swap3A_145] {strides = array<i32>} : memref<128x512xf32, #tpu.memory_space<vmem>>, vector<16xf32>,
      tpu.vector_store %arg10[%swap3A_144, %swap3A_145], %broadcast_in_dim3A_34 {strides = array<i32>} : memref<128x512xf32, #tpu.memory_space<vmem>>, vector<16xf32>,
      %swap3A_147 = arith.index_cast %scan3A_84 : i32 to index
      %swap3A_148 = arith.constant 336 : index
      %swap3A_149 = tpu.vector_load %arg10[%swap3A_147, %swap3A_148] {strides = array<i32>} : memref<128x512xf32, #tpu.memory_space<vmem>>, vector<16xf32>,
      tpu.vector_store %arg10[%swap3A_147, %swap3A_148], %broadcast_in_dim3A_34 {strides = array<i32>} : memref<128x512xf32, #tpu.memory_space<vmem>>, vector<16xf32>,
      %swap3A_150 = arith.index_cast %scan3A_84 : i32 to index
      %swap3A_151 = arith.constant 352 : index
      %swap3A_152 = tpu.vector_load %arg10[%swap3A_150, %swap3A_151] {strides = array<i32>} : memref<128x512xf32, #tpu.memory_space<vmem>>, vector<16xf32>,
      tpu.vector_store %arg10[%swap3A_150, %swap3A_151], %broadcast_in_dim3A_34 {strides = array<i32>} : memref<128x512xf32, #tpu.memory_space<vmem>>, vector<16xf32>,
      %swap3A_153 = arith.index_cast %scan3A_84 : i32 to index
      %swap3A_154 = arith.constant 368 : index
      %swap3A_155 = tpu.vector_load %arg10[%swap3A_153, %swap3A_154] {strides = array<i32>} : memref<128x512xf32, #tpu.memory_space<vmem>>, vector<16xf32>,
      tpu.vector_store %arg10[%swap3A_153, %swap3A_154], %broadcast_in_dim3A_34 {strides = array<i32>} : memref<128x512xf32, #tpu.memory_space<vmem>>, vector<16xf32>,
      %swap3A_156 = arith.index_cast %scan3A_84 : i32 to index
      %swap3A_157 = arith.constant 384 : index
      %swap3A_158 = tpu.vector_load %arg10[%swap3A_156, %swap3A_157] {strides = array<i32>} : memref<128x512xf32, #tpu.memory_space<vmem>>, vector<16xf32>,
      tpu.vector_store %arg10[%swap3A_156, %swap3A_157], %broadcast_in_dim3A_34 {strides = array<i32>} : memref<128x512xf32, #tpu.memory_space<vmem>>, vector<16xf32>,
      %swap3A_159 = arith.index_cast %scan3A_84 : i32 to index
      %swap3A_160 = arith.constant 400 : index
      %swap3A_161 = tpu.vector_load %arg10[%swap3A_159, %swap3A_160] {strides = array<i32>} : memref<128x512xf32, #tpu.memory_space<vmem>>, vector<16xf32>,
      tpu.vector_store %arg10[%swap3A_159, %swap3A_160], %broadcast_in_dim3A_34 {strides = array<i32>} : memref<128x512xf32, #tpu.memory_space<vmem>>, vector<16xf32>,
      %swap3A_162 = arith.index_cast %scan3A_84 : i32 to index
      %swap3A_163 = arith.constant 416 : index
      %swap3A_164 = tpu.vector_load %arg10[%swap3A_162, %swap3A_163] {strides = array<i32>} : memref<128x512xf32, #tpu.memory_space<vmem>>, vector<16xf32>,
      tpu.vector_store %arg10[%swap3A_162, %swap3A_163], %broadcast_in_dim3A_34 {strides = array<i32>} : memref<128x512xf32, #tpu.memory_space<vmem>>, vector<16xf32>,
      %swap3A_165 = arith.index_cast %scan3A_84 : i32 to index
      %swap3A_166 = arith.constant 432 : index
      %swap3A_167 = tpu.vector_load %arg10[%swap3A_165, %swap3A_166] {strides = array<i32>} : memref<128x512xf32, #tpu.memory_space<vmem>>, vector<16xf32>,
      tpu.vector_store %arg10[%swap3A_165, %swap3A_166], %broadcast_in_dim3A_34 {strides = array<i32>} : memref<128x512xf32, #tpu.memory_space<vmem>>, vector<16xf32>,
      %swap3A_168 = arith.index_cast %scan3A_84 : i32 to index
      %swap3A_169 = arith.constant 448 : index
      %swap3A_170 = tpu.vector_load %arg10[%swap3A_168, %swap3A_169] {strides = array<i32>} : memref<128x512xf32, #tpu.memory_space<vmem>>, vector<16xf32>,
      tpu.vector_store %arg10[%swap3A_168, %swap3A_169], %broadcast_in_dim3A_34 {strides = array<i32>} : memref<128x512xf32, #tpu.memory_space<vmem>>, vector<16xf32>,
      %swap3A_171 = arith.index_cast %scan3A_84 : i32 to index
      %swap3A_172 = arith.constant 464 : index
      %swap3A_173 = tpu.vector_load %arg10[%swap3A_171, %swap3A_172] {strides = array<i32>} : memref<128x512xf32, #tpu.memory_space<vmem>>, vector<16xf32>,
      tpu.vector_store %arg10[%swap3A_171, %swap3A_172], %broadcast_in_dim3A_34 {strides = array<i32>} : memref<128x512xf32, #tpu.memory_space<vmem>>, vector<16xf32>,
      %swap3A_174 = arith.index_cast %scan3A_84 : i32 to index
      %swap3A_175 = arith.constant 480 : index
      %swap3A_176 = tpu.vector_load %arg10[%swap3A_174, %swap3A_175] {strides = array<i32>} : memref<128x512xf32, #tpu.memory_space<vmem>>, vector<16xf32>,
      tpu.vector_store %arg10[%swap3A_174, %swap3A_175], %broadcast_in_dim3A_34 {strides = array<i32>} : memref<128x512xf32, #tpu.memory_space<vmem>>, vector<16xf32>,
      %swap3A_177 = arith.index_cast %scan3A_84 : i32 to index
      %swap3A_178 = arith.constant 496 : index
      %swap3A_179 = tpu.vector_load %arg10[%swap3A_177, %swap3A_178] {strides = array<i32>} : memref<128x512xf32, #tpu.memory_space<vmem>>, vector<16xf32>,
      tpu.vector_store %arg10[%swap3A_177, %swap3A_178], %broadcast_in_dim3A_34 {strides = array<i32>} : memref<128x512xf32, #tpu.memory_space<vmem>>, vector<16xf32>,
    }
    %scan3A_72 = arith.constant 128 : i32
    %scan3A_73 = arith.constant 0 : i32
    %scan3A_74 = arith.constant 0 : i32
    %scan3A_75 = arith.constant 128 : i32
    %scan3A_76 = arith.addi %scan3A_74, %scan3A_75 : i32
    %scan3A_77 = arith.constant 1 : i32
    scf.for %scan3A_84 = %scan3A_74 to %scan3A_76 step %scan3A_77  : i32 {
      %mul3A_85 = arith.constant 128 : i32
      %mul3A_86 = arith.muli %scan3A_84, %mul3A_85 : i32
      %add3A_87 = arith.constant 0 : i32
      %add3A_88 = arith.addi %mul3A_86, %add3A_87 : i32
      %get3A = arith.index_cast %add3A_88 : i32 to index
      %get3A_89 = tpu.vector_load %arg8[%get3A] {strides = array<i32>} : memref<16384xi32, #tpu.memory_space<vmem>>, vector<16xi32>,
      %get3A_90 = arith.index_cast %add3A_88 : i32 to index
      %get3A_91 = tpu.vector_load %arg9[%get3A_90] {strides = array<i32>} : memref<16384xi32, #tpu.memory_space<vmem>>, vector<16xi32>,
      %sub3A_92 = vector.broadcast %mul3A_66 : i32 to vector<16xi32>
      %sub3A_93 = arith.subi %get3A_91, %sub3A_92 : vector<16xi32>
      %lt3A_94 = arith.constant 128 : i32
      %lt3A_95 = vector.broadcast %lt3A_94 : i32 to vector<16xi32>
      %lt3A_96 = arith.cmpi ult, %sub3A_93, %lt3A_95 : vector<16xi32>
      %jit3A_97 = arith.constant 0 : i32
      %broadcast_in_dim3A_98 = vector.broadcast %jit3A_97 : i32 to vector<16xi32>
      %select_n3A_99 = arith.select %lt3A_96, %sub3A_93, %broadcast_in_dim3A_98 : vector<16xi1>, vector<16xi32>
      %jit3A_100 = arith.constant 0.000000e+00 : f32
      %broadcast_in_dim3A_101 = vector.broadcast %jit3A_100 : f32 to vector<16xf32>
      %select_n3A_102 = arith.select %lt3A_96, %broadcast_in_dim3A_36, %broadcast_in_dim3A_101 : vector<16xi1>, vector<16xf32>
      tpu.vector_store_idx %arg10[%select_n3A_99, %get3A_89], %select_n3A_102 {add = true} : memref<128x512xf32, #tpu.memory_space<vmem>>[vector<16xi32>, vector<16xi32>], vector<16xf32>,
      %mul3A_103 = arith.constant 128 : i32
      %mul3A_104 = arith.muli %scan3A_84, %mul3A_103 : i32
      %add3A_105 = arith.constant 16 : i32
      %add3A_106 = arith.addi %mul3A_104, %add3A_105 : i32
      %get3A_107 = arith.index_cast %add3A_106 : i32 to index
      %get3A_108 = tpu.vector_load %arg8[%get3A_107] {strides = array<i32>} : memref<16384xi32, #tpu.memory_space<vmem>>, vector<16xi32>,
      %get3A_109 = arith.index_cast %add3A_106 : i32 to index
      %get3A_110 = tpu.vector_load %arg9[%get3A_109] {strides = array<i32>} : memref<16384xi32, #tpu.memory_space<vmem>>, vector<16xi32>,
      %sub3A_111 = vector.broadcast %mul3A_66 : i32 to vector<16xi32>
      %sub3A_112 = arith.subi %get3A_110, %sub3A_111 : vector<16xi32>
      %lt3A_113 = arith.constant 128 : i32
      %lt3A_114 = vector.broadcast %lt3A_113 : i32 to vector<16xi32>
      %lt3A_115 = arith.cmpi ult, %sub3A_112, %lt3A_114 : vector<16xi32>
      %jit3A_116 = arith.constant 0 : i32
      %broadcast_in_dim3A_117 = vector.broadcast %jit3A_116 : i32 to vector<16xi32>
      %select_n3A_118 = arith.select %lt3A_115, %sub3A_112, %broadcast_in_dim3A_117 : vector<16xi1>, vector<16xi32>
      %jit3A_119 = arith.constant 0.000000e+00 : f32
      %broadcast_in_dim3A_120 = vector.broadcast %jit3A_119 : f32 to vector<16xf32>
      %select_n3A_121 = arith.select %lt3A_115, %broadcast_in_dim3A_36, %broadcast_in_dim3A_120 : vector<16xi1>, vector<16xf32>
      tpu.vector_store_idx %arg10[%select_n3A_118, %get3A_108], %select_n3A_121 {add = true} : memref<128x512xf32, #tpu.memory_space<vmem>>[vector<16xi32>, vector<16xi32>], vector<16xf32>,
      %mul3A_122 = arith.constant 128 : i32
      %mul3A_123 = arith.muli %scan3A_84, %mul3A_122 : i32
      %add3A_124 = arith.constant 32 : i32
      %add3A_125 = arith.addi %mul3A_123, %add3A_124 : i32
      %get3A_126 = arith.index_cast %add3A_125 : i32 to index
      %get3A_127 = tpu.vector_load %arg8[%get3A_126] {strides = array<i32>} : memref<16384xi32, #tpu.memory_space<vmem>>, vector<16xi32>,
      %get3A_128 = arith.index_cast %add3A_125 : i32 to index
      %get3A_129 = tpu.vector_load %arg9[%get3A_128] {strides = array<i32>} : memref<16384xi32, #tpu.memory_space<vmem>>, vector<16xi32>,
      %sub3A_130 = vector.broadcast %mul3A_66 : i32 to vector<16xi32>
      %sub3A_131 = arith.subi %get3A_129, %sub3A_130 : vector<16xi32>
      %lt3A_132 = arith.constant 128 : i32
      %lt3A_133 = vector.broadcast %lt3A_132 : i32 to vector<16xi32>
      %lt3A_134 = arith.cmpi ult, %sub3A_131, %lt3A_133 : vector<16xi32>
      %jit3A_135 = arith.constant 0 : i32
      %broadcast_in_dim3A_136 = vector.broadcast %jit3A_135 : i32 to vector<16xi32>
      %select_n3A_137 = arith.select %lt3A_134, %sub3A_131, %broadcast_in_dim3A_136 : vector<16xi1>, vector<16xi32>
      %jit3A_138 = arith.constant 0.000000e+00 : f32
      %broadcast_in_dim3A_139 = vector.broadcast %jit3A_138 : f32 to vector<16xf32>
      %select_n3A_140 = arith.select %lt3A_134, %broadcast_in_dim3A_36, %broadcast_in_dim3A_139 : vector<16xi1>, vector<16xf32>
      tpu.vector_store_idx %arg10[%select_n3A_137, %get3A_127], %select_n3A_140 {add = true} : memref<128x512xf32, #tpu.memory_space<vmem>>[vector<16xi32>, vector<16xi32>], vector<16xf32>,
      %mul3A_141 = arith.constant 128 : i32
      %mul3A_142 = arith.muli %scan3A_84, %mul3A_141 : i32
      %add3A_143 = arith.constant 48 : i32
      %add3A_144 = arith.addi %mul3A_142, %add3A_143 : i32
      %get3A_145 = arith.index_cast %add3A_144 : i32 to index
      %get3A_146 = tpu.vector_load %arg8[%get3A_145] {strides = array<i32>} : memref<16384xi32, #tpu.memory_space<vmem>>, vector<16xi32>,
      %get3A_147 = arith.index_cast %add3A_144 : i32 to index
      %get3A_148 = tpu.vector_load %arg9[%get3A_147] {strides = array<i32>} : memref<16384xi32, #tpu.memory_space<vmem>>, vector<16xi32>,
      %sub3A_149 = vector.broadcast %mul3A_66 : i32 to vector<16xi32>
      %sub3A_150 = arith.subi %get3A_148, %sub3A_149 : vector<16xi32>
      %lt3A_151 = arith.constant 128 : i32
      %lt3A_152 = vector.broadcast %lt3A_151 : i32 to vector<16xi32>
      %lt3A_153 = arith.cmpi ult, %sub3A_150, %lt3A_152 : vector<16xi32>
      %jit3A_154 = arith.constant 0 : i32
      %broadcast_in_dim3A_155 = vector.broadcast %jit3A_154 : i32 to vector<16xi32>
      %select_n3A_156 = arith.select %lt3A_153, %sub3A_150, %broadcast_in_dim3A_155 : vector<16xi1>, vector<16xi32>
      %jit3A_157 = arith.constant 0.000000e+00 : f32
      %broadcast_in_dim3A_158 = vector.broadcast %jit3A_157 : f32 to vector<16xf32>
      %select_n3A_159 = arith.select %lt3A_153, %broadcast_in_dim3A_36, %broadcast_in_dim3A_158 : vector<16xi1>, vector<16xf32>
      tpu.vector_store_idx %arg10[%select_n3A_156, %get3A_146], %select_n3A_159 {add = true} : memref<128x512xf32, #tpu.memory_space<vmem>>[vector<16xi32>, vector<16xi32>], vector<16xf32>,
      %mul3A_160 = arith.constant 128 : i32
      %mul3A_161 = arith.muli %scan3A_84, %mul3A_160 : i32
      %add3A_162 = arith.constant 64 : i32
      %add3A_163 = arith.addi %mul3A_161, %add3A_162 : i32
      %get3A_164 = arith.index_cast %add3A_163 : i32 to index
      %get3A_165 = tpu.vector_load %arg8[%get3A_164] {strides = array<i32>} : memref<16384xi32, #tpu.memory_space<vmem>>, vector<16xi32>,
      %get3A_166 = arith.index_cast %add3A_163 : i32 to index
      %get3A_167 = tpu.vector_load %arg9[%get3A_166] {strides = array<i32>} : memref<16384xi32, #tpu.memory_space<vmem>>, vector<16xi32>,
      %sub3A_168 = vector.broadcast %mul3A_66 : i32 to vector<16xi32>
      %sub3A_169 = arith.subi %get3A_167, %sub3A_168 : vector<16xi32>
      %lt3A_170 = arith.constant 128 : i32
      %lt3A_171 = vector.broadcast %lt3A_170 : i32 to vector<16xi32>
      %lt3A_172 = arith.cmpi ult, %sub3A_169, %lt3A_171 : vector<16xi32>
      %jit3A_173 = arith.constant 0 : i32
      %broadcast_in_dim3A_174 = vector.broadcast %jit3A_173 : i32 to vector<16xi32>
      %select_n3A_175 = arith.select %lt3A_172, %sub3A_169, %broadcast_in_dim3A_174 : vector<16xi1>, vector<16xi32>
      %jit3A_176 = arith.constant 0.000000e+00 : f32
      %broadcast_in_dim3A_177 = vector.broadcast %jit3A_176 : f32 to vector<16xf32>
      %select_n3A_178 = arith.select %lt3A_172, %broadcast_in_dim3A_36, %broadcast_in_dim3A_177 : vector<16xi1>, vector<16xf32>
      tpu.vector_store_idx %arg10[%select_n3A_175, %get3A_165], %select_n3A_178 {add = true} : memref<128x512xf32, #tpu.memory_space<vmem>>[vector<16xi32>, vector<16xi32>], vector<16xf32>,
      %mul3A_179 = arith.constant 128 : i32
      %mul3A_180 = arith.muli %scan3A_84, %mul3A_179 : i32
      %add3A_181 = arith.constant 80 : i32
      %add3A_182 = arith.addi %mul3A_180, %add3A_181 : i32
      %get3A_183 = arith.index_cast %add3A_182 : i32 to index
      %get3A_184 = tpu.vector_load %arg8[%get3A_183] {strides = array<i32>} : memref<16384xi32, #tpu.memory_space<vmem>>, vector<16xi32>,
      %get3A_185 = arith.index_cast %add3A_182 : i32 to index
      %get3A_186 = tpu.vector_load %arg9[%get3A_185] {strides = array<i32>} : memref<16384xi32, #tpu.memory_space<vmem>>, vector<16xi32>,
      %sub3A_187 = vector.broadcast %mul3A_66 : i32 to vector<16xi32>
      %sub3A_188 = arith.subi %get3A_186, %sub3A_187 : vector<16xi32>
      %lt3A_189 = arith.constant 128 : i32
      %lt3A_190 = vector.broadcast %lt3A_189 : i32 to vector<16xi32>
      %lt3A_191 = arith.cmpi ult, %sub3A_188, %lt3A_190 : vector<16xi32>
      %jit3A_192 = arith.constant 0 : i32
      %broadcast_in_dim3A_193 = vector.broadcast %jit3A_192 : i32 to vector<16xi32>
      %select_n3A_194 = arith.select %lt3A_191, %sub3A_188, %broadcast_in_dim3A_193 : vector<16xi1>, vector<16xi32>
      %jit3A_195 = arith.constant 0.000000e+00 : f32
      %broadcast_in_dim3A_196 = vector.broadcast %jit3A_195 : f32 to vector<16xf32>
      %select_n3A_197 = arith.select %lt3A_191, %broadcast_in_dim3A_36, %broadcast_in_dim3A_196 : vector<16xi1>, vector<16xf32>
      tpu.vector_store_idx %arg10[%select_n3A_194, %get3A_184], %select_n3A_197 {add = true} : memref<128x512xf32, #tpu.memory_space<vmem>>[vector<16xi32>, vector<16xi32>], vector<16xf32>,
      %mul3A_198 = arith.constant 128 : i32
      %mul3A_199 = arith.muli %scan3A_84, %mul3A_198 : i32
      %add3A_200 = arith.constant 96 : i32
      %add3A_201 = arith.addi %mul3A_199, %add3A_200 : i32
      %get3A_202 = arith.index_cast %add3A_201 : i32 to index
      %get3A_203 = tpu.vector_load %arg8[%get3A_202] {strides = array<i32>} : memref<16384xi32, #tpu.memory_space<vmem>>, vector<16xi32>,
      %get3A_204 = arith.index_cast %add3A_201 : i32 to index
      %get3A_205 = tpu.vector_load %arg9[%get3A_204] {strides = array<i32>} : memref<16384xi32, #tpu.memory_space<vmem>>, vector<16xi32>,
      %sub3A_206 = vector.broadcast %mul3A_66 : i32 to vector<16xi32>
      %sub3A_207 = arith.subi %get3A_205, %sub3A_206 : vector<16xi32>
      %lt3A_208 = arith.constant 128 : i32
      %lt3A_209 = vector.broadcast %lt3A_208 : i32 to vector<16xi32>
      %lt3A_210 = arith.cmpi ult, %sub3A_207, %lt3A_209 : vector<16xi32>
      %jit3A_211 = arith.constant 0 : i32
      %broadcast_in_dim3A_212 = vector.broadcast %jit3A_211 : i32 to vector<16xi32>
      %select_n3A_213 = arith.select %lt3A_210, %sub3A_207, %broadcast_in_dim3A_212 : vector<16xi1>, vector<16xi32>
      %jit3A_214 = arith.constant 0.000000e+00 : f32
      %broadcast_in_dim3A_215 = vector.broadcast %jit3A_214 : f32 to vector<16xf32>
      %select_n3A_216 = arith.select %lt3A_210, %broadcast_in_dim3A_36, %broadcast_in_dim3A_215 : vector<16xi1>, vector<16xf32>
      tpu.vector_store_idx %arg10[%select_n3A_213, %get3A_203], %select_n3A_216 {add = true} : memref<128x512xf32, #tpu.memory_space<vmem>>[vector<16xi32>, vector<16xi32>], vector<16xf32>,
      %mul3A_217 = arith.constant 128 : i32
      %mul3A_218 = arith.muli %scan3A_84, %mul3A_217 : i32
      %add3A_219 = arith.constant 112 : i32
      %add3A_220 = arith.addi %mul3A_218, %add3A_219 : i32
      %get3A_221 = arith.index_cast %add3A_220 : i32 to index
      %get3A_222 = tpu.vector_load %arg8[%get3A_221] {strides = array<i32>} : memref<16384xi32, #tpu.memory_space<vmem>>, vector<16xi32>,
      %get3A_223 = arith.index_cast %add3A_220 : i32 to index
      %get3A_224 = tpu.vector_load %arg9[%get3A_223] {strides = array<i32>} : memref<16384xi32, #tpu.memory_space<vmem>>, vector<16xi32>,
      %sub3A_225 = vector.broadcast %mul3A_66 : i32 to vector<16xi32>
      %sub3A_226 = arith.subi %get3A_224, %sub3A_225 : vector<16xi32>
      %lt3A_227 = arith.constant 128 : i32
      %lt3A_228 = vector.broadcast %lt3A_227 : i32 to vector<16xi32>
      %lt3A_229 = arith.cmpi ult, %sub3A_226, %lt3A_228 : vector<16xi32>
      %jit3A_230 = arith.constant 0 : i32
      %broadcast_in_dim3A_231 = vector.broadcast %jit3A_230 : i32 to vector<16xi32>
      %select_n3A_232 = arith.select %lt3A_229, %sub3A_226, %broadcast_in_dim3A_231 : vector<16xi1>, vector<16xi32>
      %jit3A_233 = arith.constant 0.000000e+00 : f32
      %broadcast_in_dim3A_234 = vector.broadcast %jit3A_233 : f32 to vector<16xf32>
      %select_n3A_235 = arith.select %lt3A_229, %broadcast_in_dim3A_36, %broadcast_in_dim3A_234 : vector<16xi1>, vector<16xf32>
      tpu.vector_store_idx %arg10[%select_n3A_232, %get3A_222], %select_n3A_235 {add = true} : memref<128x512xf32, #tpu.memory_space<vmem>>[vector<16xi32>, vector<16xi32>], vector<16xf32>,
    }
    %scan3A_78 = arith.constant 128 : i32
    "tpu.region"() ({
      %run_scoped3A = tpu.sem_alloc : memref<!tpu.dma_semaphore, #tpu.memory_space<semaphore_mem>>
      %dma_start3A_84 = arith.constant 0 : i32
      %dma_start3A_85 = tpu.memref_slice %arg6[%select_n3A, %mul3A_66, %dma_start3A_84] : memref<16x512x512xf32, #tpu.memory_space<hbm>> -> memref<1x128x512xf32, #tpu.memory_space<hbm>>
      %dma_start3A_86 = tpu.memref_squeeze %dma_start3A_85 : memref<1x128x512xf32, #tpu.memory_space<hbm>> -> memref<128x512xf32, #tpu.memory_space<hbm>>
      %dma_start3A_87 = arith.constant 0 : i32
      %dma_start3A_88 = tpu.memref_slice %arg6[%select_n3A, %mul3A_66, %dma_start3A_87] : memref<16x512x512xf32, #tpu.memory_space<hbm>> -> memref<1x128x512xf32, #tpu.memory_space<hbm>>
      %dma_start3A_89 = tpu.memref_squeeze %dma_start3A_88 : memref<1x128x512xf32, #tpu.memory_space<hbm>> -> memref<128x512xf32, #tpu.memory_space<hbm>>
      tpu.enqueue_dma source(%arg10 : memref<128x512xf32, #tpu.memory_space<vmem>>) target(%dma_start3A_89 : memref<128x512xf32, #tpu.memory_space<hbm>>) target_semaphore(%run_scoped3A : memref<!tpu.dma_semaphore, #tpu.memory_space<semaphore_mem>>)
      %dma_wait3A_90 = arith.constant 0 : i32
      %dma_wait3A_91 = tpu.memref_slice %arg6[%select_n3A, %mul3A_66, %dma_wait3A_90] : memref<16x512x512xf32, #tpu.memory_space<hbm>> -> memref<1x128x512xf32, #tpu.memory_space<hbm>>
      %dma_wait3A_92 = tpu.memref_squeeze %dma_wait3A_91 : memref<1x128x512xf32, #tpu.memory_space<hbm>> -> memref<128x512xf32, #tpu.memory_space<hbm>>
      %dma_wait3A_93 = arith.constant 0 : i32
      %dma_wait3A_94 = tpu.memref_slice %arg6[%select_n3A, %mul3A_66, %dma_wait3A_93] : memref<16x512x512xf32, #tpu.memory_space<hbm>> -> memref<1x128x512xf32, #tpu.memory_space<hbm>>
      %dma_wait3A_95 = tpu.memref_squeeze %dma_wait3A_94 : memref<1x128x512xf32, #tpu.memory_space<hbm>> -> memref<128x512xf32, #tpu.memory_space<hbm>>
      tpu.wait_dma2 semaphore(%run_scoped3A : memref<!tpu.dma_semaphore, #tpu.memory_space<semaphore_mem>>) src(%arg10 : memref<128x512xf32, #tpu.memory_space<vmem>>) dst(%dma_wait3A_95 : memref<128x512xf32, #tpu.memory_space<hbm>>)
      tpu.yield
    }) : () -> ()
    %lt3A_79 = arith.constant 8 : i32
    %lt3A_80 = arith.cmpi slt, %add3A, %lt3A_79 : i32
    %convert_element_type3A_81 = arith.extui %lt3A_80 : i1 to i32
    %cond3A_82 = arith.constant 0 : i32
    %cond3A_83 = arith.cmpi ne, %convert_element_type3A_81, %cond3A_82 : i32
    scf.if %cond3A_83 {
      %dma_wait3A_84 = arith.constant 0 : i32
      %dma_wait3A_85 = arith.constant 0 : i32
      %dma_wait3A_86 = tpu.memref_slice %arg5[%dma_wait3A_84, %dma_wait3A_85] : memref<130816x512xf32, #tpu.memory_space<hbm>> -> memref<130816x512xf32, #tpu.memory_space<hbm>>
      tpu.wait_indirect_dma semaphore(%arg15 : memref<!tpu.dma_semaphore, #tpu.memory_space<semaphore_mem>>) src(%dma_wait3A_86 : memref<130816x512xf32, #tpu.memory_space<hbm>>) dst(%arg12 : memref<8x512xf32, #tpu.memory_space<vmem>>)
      %mul3A_87 = arith.constant 8 : i32
      %mul3A_88 = arith.muli %add3A, %mul3A_87 : i32
      "tpu.region"() ({
        %run_scoped3A = tpu.sem_alloc : memref<!tpu.dma_semaphore, #tpu.memory_space<semaphore_mem>>
        %dma_start3A_89 = arith.constant 0 : i32
        %dma_start3A_90 = tpu.memref_slice %arg7[%mul3A_88, %dma_start3A_89] : memref<64x512xf32, #tpu.memory_space<hbm>> -> memref<8x512xf32, #tpu.memory_space<hbm>>
        %dma_start3A_91 = arith.constant 0 : i32
        %dma_start3A_92 = tpu.memref_slice %arg7[%mul3A_88, %dma_start3A_91] : memref<64x512xf32, #tpu.memory_space<hbm>> -> memref<8x512xf32, #tpu.memory_space<hbm>>
        tpu.enqueue_dma source(%arg12 : memref<8x512xf32, #tpu.memory_space<vmem>>) target(%dma_start3A_92 : memref<8x512xf32, #tpu.memory_space<hbm>>) target_semaphore(%run_scoped3A : memref<!tpu.dma_semaphore, #tpu.memory_space<semaphore_mem>>)
        %dma_wait3A_93 = arith.constant 0 : i32
        %dma_wait3A_94 = tpu.memref_slice %arg7[%mul3A_88, %dma_wait3A_93] : memref<64x512xf32, #tpu.memory_space<hbm>> -> memref<8x512xf32, #tpu.memory_space<hbm>>
        %dma_wait3A_95 = arith.constant 0 : i32
        %dma_wait3A_96 = tpu.memref_slice %arg7[%mul3A_88, %dma_wait3A_95] : memref<64x512xf32, #tpu.memory_space<hbm>> -> memref<8x512xf32, #tpu.memory_space<hbm>>
        tpu.wait_dma2 semaphore(%run_scoped3A : memref<!tpu.dma_semaphore, #tpu.memory_space<semaphore_mem>>) src(%arg12 : memref<8x512xf32, #tpu.memory_space<vmem>>) dst(%dma_wait3A_96 : memref<8x512xf32, #tpu.memory_space<hbm>>)
        tpu.yield
      }) : () -> ()
    } else {
    }
    return
  }
}

module attributes {stable_mosaic.version = 14 : i64} {
  func.func @_tc_body(%arg0: i32, %arg1: memref<1x1x512xf32, #tpu.memory_space<vmem>>, %arg2: memref<1x1x512xf32, #tpu.memory_space<vmem>>, %arg3: memref<1x1x512xf32, #tpu.memory_space<vmem>>, %arg4: memref<1x1x512xf32, #tpu.memory_space<vmem>>, %arg5: memref<1x1x512xf32, #tpu.memory_space<vmem>>, %arg6: memref<1x1x512xf32, #tpu.memory_space<vmem>>, %arg7: memref<1x512x512xf32, #tpu.memory_space<vmem>>, %arg8: memref<1x3x256xf32, #tpu.memory_space<vmem>>, %arg9: memref<1x1x256xf32, #tpu.memory_space<vmem>>, %arg10: memref<1x256x128xf32, #tpu.memory_space<vmem>>, %arg11: memref<1x1x128xf32, #tpu.memory_space<vmem>>, %arg12: memref<1x128x256xf32, #tpu.memory_space<vmem>>, %arg13: memref<1x1x256xf32, #tpu.memory_space<vmem>>, %arg14: memref<1x256x256xf32, #tpu.memory_space<vmem>>, %arg15: memref<1x1x256xf32, #tpu.memory_space<vmem>>, %arg16: memref<1x1x256xf32, #tpu.memory_space<vmem>>, %arg17: memref<1x1x512xf32, #tpu.memory_space<vmem>>, %arg18: memref<1x2x512xf32, #tpu.memory_space<vmem>>) attributes {dimension_semantics = [#tpu.dimension_semantics<arbitrary>], iteration_bounds = array<i64: 16>, scalar_prefetch = 0 : i64, scratch_operands = 0 : i64, tpu.core_type = #tpu.core_type<tc>, window_params = [{transform_indices = @transform_0, window_bounds = array<i64: 1, 1, 512>}, {transform_indices = @transform_1, window_bounds = array<i64: 1, 1, 512>}, {transform_indices = @transform_2, window_bounds = array<i64: 1, 1, 512>}, {transform_indices = @transform_3, window_bounds = array<i64: 1, 1, 512>}, {transform_indices = @transform_4, window_bounds = array<i64: 1, 1, 512>}, {transform_indices = @transform_5, window_bounds = array<i64: 1, 1, 512>}, {transform_indices = @transform_6, window_bounds = array<i64: 1, 512, 512>}, {pipeline_mode = #tpu.pipeline_mode<synchronous>, transform_indices = @transform_7, window_bounds = array<i64: 1, 3, 256>}, {pipeline_mode = #tpu.pipeline_mode<synchronous>, transform_indices = @transform_8, window_bounds = array<i64: 1, 1, 256>}, {pipeline_mode = #tpu.pipeline_mode<synchronous>, transform_indices = @transform_9, window_bounds = array<i64: 1, 256, 128>}, {pipeline_mode = #tpu.pipeline_mode<synchronous>, transform_indices = @transform_10, window_bounds = array<i64: 1, 1, 128>}, {pipeline_mode = #tpu.pipeline_mode<synchronous>, transform_indices = @transform_11, window_bounds = array<i64: 1, 128, 256>}, {pipeline_mode = #tpu.pipeline_mode<synchronous>, transform_indices = @transform_12, window_bounds = array<i64: 1, 1, 256>}, {pipeline_mode = #tpu.pipeline_mode<synchronous>, transform_indices = @transform_13, window_bounds = array<i64: 1, 256, 256>}, {pipeline_mode = #tpu.pipeline_mode<synchronous>, transform_indices = @transform_14, window_bounds = array<i64: 1, 1, 256>}, {pipeline_mode = #tpu.pipeline_mode<synchronous>, transform_indices = @transform_15, window_bounds = array<i64: 1, 1, 256>}, {pipeline_mode = #tpu.pipeline_mode<synchronous>, transform_indices = @transform_16, window_bounds = array<i64: 1, 1, 512>}, {transform_indices = @transform_17, window_bounds = array<i64: 1, 2, 512>}]} {
    %get3A = arith.constant 0 : index
    %get3A_0 = arith.constant 0 : index
    %get3A_1 = arith.constant 0 : index
    %get3A_2 = vector.load %arg7[%get3A, %get3A_0, %get3A_1] : memref<1x512x512xf32, #tpu.memory_space<vmem>>, vector<1x512x512xf32>
    %get3A_3 = vector.shape_cast %get3A_2 : vector<1x512x512xf32> to vector<512x512xf32>
    %reduce_sum3A = arith.constant dense<0.000000e+00> : vector<512xf32>
    %reduce_sum3A_4 = vector.multi_reduction <add>, %get3A_3, %reduce_sum3A [1] : vector<512x512xf32> to vector<512xf32>
    %add3A = arith.constant 1.000000e+00 : f32
    %add3A_5 = vector.broadcast %add3A : f32 to vector<512xf32>
    %add3A_6 = arith.addf %add3A_5, %reduce_sum3A_4 : vector<512xf32>
    %rsqrt3A = math.rsqrt %add3A_6 : vector<512xf32>
    %div3A = arith.constant 1.000000e+00 : f32
    %div3A_7 = vector.broadcast %div3A : f32 to vector<512xf32>
    %div3A_8 = arith.divf %div3A_7, %add3A_6 : vector<512xf32>
    %get3A_9 = arith.constant 0 : index
    %get3A_10 = arith.constant 0 : index
    %get3A_11 = arith.constant 0 : index
    %get3A_12 = vector.load %arg8[%get3A_9, %get3A_10, %get3A_11] : memref<1x3x256xf32, #tpu.memory_space<vmem>>, vector<1x1x256xf32>
    %get3A_13 = vector.shape_cast %get3A_12 : vector<1x1x256xf32> to vector<256xf32>
    %get3A_14 = arith.constant 0 : index
    %get3A_15 = arith.constant 1 : index
    %get3A_16 = arith.constant 0 : index
    %get3A_17 = vector.load %arg8[%get3A_14, %get3A_15, %get3A_16] : memref<1x3x256xf32, #tpu.memory_space<vmem>>, vector<1x1x256xf32>
    %get3A_18 = vector.shape_cast %get3A_17 : vector<1x1x256xf32> to vector<256xf32>
    %get3A_19 = arith.constant 0 : index
    %get3A_20 = arith.constant 2 : index
    %get3A_21 = arith.constant 0 : index
    %get3A_22 = vector.load %arg8[%get3A_19, %get3A_20, %get3A_21] : memref<1x3x256xf32, #tpu.memory_space<vmem>>, vector<1x1x256xf32>
    %get3A_23 = vector.shape_cast %get3A_22 : vector<1x1x256xf32> to vector<256xf32>
    %get3A_24 = arith.constant 0 : index
    %get3A_25 = arith.constant 0 : index
    %get3A_26 = arith.constant 0 : index
    %get3A_27 = vector.load %arg1[%get3A_24, %get3A_25, %get3A_26] : memref<1x1x512xf32, #tpu.memory_space<vmem>>, vector<1x1x512xf32>
    %get3A_28 = vector.shape_cast %get3A_27 : vector<1x1x512xf32> to vector<512xf32>
    %get3A_29 = arith.constant 0 : index
    %get3A_30 = arith.constant 0 : index
    %get3A_31 = arith.constant 0 : index
    %get3A_32 = vector.load %arg2[%get3A_29, %get3A_30, %get3A_31] : memref<1x1x512xf32, #tpu.memory_space<vmem>>, vector<1x1x512xf32>
    %get3A_33 = vector.shape_cast %get3A_32 : vector<1x1x512xf32> to vector<512xf32>
    %get3A_34 = arith.constant 0 : index
    %get3A_35 = arith.constant 0 : index
    %get3A_36 = arith.constant 0 : index
    %get3A_37 = vector.load %arg5[%get3A_34, %get3A_35, %get3A_36] : memref<1x1x512xf32, #tpu.memory_space<vmem>>, vector<1x1x512xf32>
    %get3A_38 = vector.shape_cast %get3A_37 : vector<1x1x512xf32> to vector<512xf32>
    %get3A_39 = arith.constant 0 : index
    %get3A_40 = arith.constant 0 : index
    %get3A_41 = arith.constant 0 : index
    %get3A_42 = vector.load %arg3[%get3A_39, %get3A_40, %get3A_41] : memref<1x1x512xf32, #tpu.memory_space<vmem>>, vector<1x1x512xf32>
    %get3A_43 = vector.shape_cast %get3A_42 : vector<1x1x512xf32> to vector<512xf32>
    %get3A_44 = arith.constant 0 : index
    %get3A_45 = arith.constant 0 : index
    %get3A_46 = arith.constant 0 : index
    %get3A_47 = vector.load %arg4[%get3A_44, %get3A_45, %get3A_46] : memref<1x1x512xf32, #tpu.memory_space<vmem>>, vector<1x1x512xf32>
    %get3A_48 = vector.shape_cast %get3A_47 : vector<1x1x512xf32> to vector<512xf32>
    %get3A_49 = arith.constant 0 : index
    %get3A_50 = arith.constant 0 : index
    %get3A_51 = arith.constant 0 : index
    %get3A_52 = vector.load %arg6[%get3A_49, %get3A_50, %get3A_51] : memref<1x1x512xf32, #tpu.memory_space<vmem>>, vector<1x1x512xf32>
    %get3A_53 = vector.shape_cast %get3A_52 : vector<1x1x512xf32> to vector<512xf32>
    %broadcast_in_dim3A = vector.shape_cast %get3A_28 : vector<512xf32> to vector<512x1xf32>
    %broadcast_in_dim3A_54 = vector.shape_cast %get3A_13 : vector<256xf32> to vector<1x256xf32>
    %mul3A = vector.broadcast %broadcast_in_dim3A : vector<512x1xf32> to vector<512x256xf32>
    %mul3A_55 = vector.broadcast %broadcast_in_dim3A_54 : vector<1x256xf32> to vector<512x256xf32>
    %mul3A_56 = arith.mulf %mul3A, %mul3A_55 : vector<512x256xf32>
    %broadcast_in_dim3A_57 = vector.shape_cast %get3A_33 : vector<512xf32> to vector<512x1xf32>
    %broadcast_in_dim3A_58 = vector.shape_cast %get3A_18 : vector<256xf32> to vector<1x256xf32>
    %mul3A_59 = vector.broadcast %broadcast_in_dim3A_57 : vector<512x1xf32> to vector<512x256xf32>
    %mul3A_60 = vector.broadcast %broadcast_in_dim3A_58 : vector<1x256xf32> to vector<512x256xf32>
    %mul3A_61 = arith.mulf %mul3A_59, %mul3A_60 : vector<512x256xf32>
    %add3A_62 = arith.addf %mul3A_56, %mul3A_61 : vector<512x256xf32>
    %broadcast_in_dim3A_63 = vector.shape_cast %get3A_38 : vector<512xf32> to vector<512x1xf32>
    %broadcast_in_dim3A_64 = vector.shape_cast %get3A_23 : vector<256xf32> to vector<1x256xf32>
    %mul3A_65 = vector.broadcast %broadcast_in_dim3A_63 : vector<512x1xf32> to vector<512x256xf32>
    %mul3A_66 = vector.broadcast %broadcast_in_dim3A_64 : vector<1x256xf32> to vector<512x256xf32>
    %mul3A_67 = arith.mulf %mul3A_65, %mul3A_66 : vector<512x256xf32>
    %add3A_68 = arith.addf %add3A_62, %mul3A_67 : vector<512x256xf32>
    %broadcast_in_dim3A_69 = vector.shape_cast %get3A_43 : vector<512xf32> to vector<512x1xf32>
    %broadcast_in_dim3A_70 = vector.shape_cast %get3A_13 : vector<256xf32> to vector<1x256xf32>
    %mul3A_71 = vector.broadcast %broadcast_in_dim3A_69 : vector<512x1xf32> to vector<512x256xf32>
    %mul3A_72 = vector.broadcast %broadcast_in_dim3A_70 : vector<1x256xf32> to vector<512x256xf32>
    %mul3A_73 = arith.mulf %mul3A_71, %mul3A_72 : vector<512x256xf32>
    %broadcast_in_dim3A_74 = vector.shape_cast %get3A_48 : vector<512xf32> to vector<512x1xf32>
    %broadcast_in_dim3A_75 = vector.shape_cast %get3A_18 : vector<256xf32> to vector<1x256xf32>
    %mul3A_76 = vector.broadcast %broadcast_in_dim3A_74 : vector<512x1xf32> to vector<512x256xf32>
    %mul3A_77 = vector.broadcast %broadcast_in_dim3A_75 : vector<1x256xf32> to vector<512x256xf32>
    %mul3A_78 = arith.mulf %mul3A_76, %mul3A_77 : vector<512x256xf32>
    %add3A_79 = arith.addf %mul3A_73, %mul3A_78 : vector<512x256xf32>
    %broadcast_in_dim3A_80 = vector.shape_cast %get3A_53 : vector<512xf32> to vector<512x1xf32>
    %broadcast_in_dim3A_81 = vector.shape_cast %get3A_23 : vector<256xf32> to vector<1x256xf32>
    %mul3A_82 = vector.broadcast %broadcast_in_dim3A_80 : vector<512x1xf32> to vector<512x256xf32>
    %mul3A_83 = vector.broadcast %broadcast_in_dim3A_81 : vector<1x256xf32> to vector<512x256xf32>
    %mul3A_84 = arith.mulf %mul3A_82, %mul3A_83 : vector<512x256xf32>
    %add3A_85 = arith.addf %add3A_79, %mul3A_84 : vector<512x256xf32>
    %get3A_86 = arith.constant 0 : index
    %get3A_87 = arith.constant 0 : index
    %get3A_88 = arith.constant 0 : index
    %get3A_89 = vector.load %arg9[%get3A_86, %get3A_87, %get3A_88] : memref<1x1x256xf32, #tpu.memory_space<vmem>>, vector<1x1x256xf32>
    %get3A_90 = vector.shape_cast %get3A_89 : vector<1x1x256xf32> to vector<256xf32>
    %broadcast_in_dim3A_91 = vector.shape_cast %get3A_90 : vector<256xf32> to vector<1x256xf32>
    %add3A_92 = vector.broadcast %broadcast_in_dim3A_91 : vector<1x256xf32> to vector<512x256xf32>
    %add3A_93 = arith.addf %add3A_68, %add3A_92 : vector<512x256xf32>
    %max3A = arith.constant 0.000000e+00 : f32
    %max3A_94 = vector.broadcast %max3A : f32 to vector<512x256xf32>
    %max3A_95 = arith.maximumf %add3A_93, %max3A_94 : vector<512x256xf32>
    %get3A_96 = arith.constant 0 : index
    %get3A_97 = arith.constant 0 : index
    %get3A_98 = arith.constant 0 : index
    %get3A_99 = vector.load %arg10[%get3A_96, %get3A_97, %get3A_98] : memref<1x256x128xf32, #tpu.memory_space<vmem>>, vector<1x256x128xf32>
    %get3A_100 = vector.shape_cast %get3A_99 : vector<1x256x128xf32> to vector<256x128xf32>
    %convert_element_type3A = arith.truncf %get3A_100 : vector<256x128xf32> to vector<256x128xbf16>
    %convert_element_type3A_101 = arith.truncf %max3A_95 : vector<512x256xf32> to vector<512x256xbf16>
    %dot_general3A = arith.constant dense<0.000000e+00> : vector<512x128xf32>
    %dot_general3A_102 = tpu.matmul %convert_element_type3A_101, %convert_element_type3A, %dot_general3A {dimension_numbers = #tpu.dot_dimension_numbers<[1], [0], [0], [1], [0, 0, 1, 1], [], []>, transpose_lhs_hint = false} : vector<512x256xbf16>, vector<256x128xbf16>, vector<512x128xf32> -> vector<512x128xf32>
    %concatenate3A = tpu.concatenate %add3A_68, %dot_general3A_102 in 1 : vector<512x256xf32>, vector<512x128xf32> -> vector<512x384xf32>
    %convert_element_type3A_103 = arith.truncf %get3A_3 : vector<512x512xf32> to vector<512x512xbf16>
    %convert_element_type3A_104 = arith.truncf %concatenate3A : vector<512x384xf32> to vector<512x384xbf16>
    %dot_general3A_105 = arith.constant dense<0.000000e+00> : vector<512x384xf32>
    %dot_general3A_106 = tpu.matmul %convert_element_type3A_103, %convert_element_type3A_104, %dot_general3A_105 {dimension_numbers = #tpu.dot_dimension_numbers<[1], [0], [0], [1], [0, 0, 1, 1], [], []>, transpose_lhs_hint = false} : vector<512x512xbf16>, vector<512x384xbf16>, vector<512x384xf32> -> vector<512x384xf32>
    %broadcast_in_dim3A_107 = vector.shape_cast %div3A_8 : vector<512xf32> to vector<512x1xf32>
    %mul3A_108 = vector.broadcast %broadcast_in_dim3A_107 : vector<512x1xf32> to vector<512x256xf32>
    %mul3A_109 = arith.mulf %mul3A_108, %add3A_85 : vector<512x256xf32>
    %broadcast_in_dim3A_110 = vector.shape_cast %rsqrt3A : vector<512xf32> to vector<512x1xf32>
    %slice3A = vector.extract_strided_slice %dot_general3A_106 {offsets = [0, 0], sizes = [512, 256], strides = [1, 1]} : vector<512x384xf32> to vector<512x256xf32>
    %mul3A_111 = vector.broadcast %broadcast_in_dim3A_110 : vector<512x1xf32> to vector<512x256xf32>
    %mul3A_112 = arith.mulf %mul3A_111, %slice3A : vector<512x256xf32>
    %add3A_113 = arith.addf %mul3A_109, %mul3A_112 : vector<512x256xf32>
    %broadcast_in_dim3A_114 = vector.shape_cast %get3A_90 : vector<256xf32> to vector<1x256xf32>
    %add3A_115 = vector.broadcast %broadcast_in_dim3A_114 : vector<1x256xf32> to vector<512x256xf32>
    %add3A_116 = arith.addf %add3A_113, %add3A_115 : vector<512x256xf32>
    %max3A_117 = arith.constant 0.000000e+00 : f32
    %max3A_118 = vector.broadcast %max3A_117 : f32 to vector<512x256xf32>
    %max3A_119 = arith.maximumf %add3A_116, %max3A_118 : vector<512x256xf32>
    %get3A_120 = arith.constant 0 : index
    %get3A_121 = arith.constant 0 : index
    %get3A_122 = arith.constant 0 : index
    %get3A_123 = vector.load %arg11[%get3A_120, %get3A_121, %get3A_122] : memref<1x1x128xf32, #tpu.memory_space<vmem>>, vector<1x1x128xf32>
    %get3A_124 = vector.shape_cast %get3A_123 : vector<1x1x128xf32> to vector<128xf32>
    %broadcast_in_dim3A_125 = vector.shape_cast %get3A_124 : vector<128xf32> to vector<1x128xf32>
    %add3A_126 = vector.broadcast %broadcast_in_dim3A_125 : vector<1x128xf32> to vector<512x128xf32>
    %add3A_127 = arith.addf %dot_general3A_102, %add3A_126 : vector<512x128xf32>
    %broadcast_in_dim3A_128 = vector.shape_cast %div3A_8 : vector<512xf32> to vector<512x1xf32>
    %convert_element_type3A_129 = arith.truncf %max3A_119 : vector<512x256xf32> to vector<512x256xbf16>
    %dot_general3A_130 = arith.constant dense<0.000000e+00> : vector<512x128xf32>
    %dot_general3A_131 = tpu.matmul %convert_element_type3A_129, %convert_element_type3A, %dot_general3A_130 {dimension_numbers = #tpu.dot_dimension_numbers<[1], [0], [0], [1], [0, 0, 1, 1], [], []>, transpose_lhs_hint = false} : vector<512x256xbf16>, vector<256x128xbf16>, vector<512x128xf32> -> vector<512x128xf32>
    %mul3A_132 = vector.broadcast %broadcast_in_dim3A_128 : vector<512x1xf32> to vector<512x128xf32>
    %mul3A_133 = arith.mulf %mul3A_132, %dot_general3A_131 : vector<512x128xf32>
    %broadcast_in_dim3A_134 = vector.shape_cast %rsqrt3A : vector<512xf32> to vector<512x1xf32>
    %slice3A_135 = vector.extract_strided_slice %dot_general3A_106 {offsets = [0, 256], sizes = [512, 128], strides = [1, 1]} : vector<512x384xf32> to vector<512x128xf32>
    %mul3A_136 = vector.broadcast %broadcast_in_dim3A_134 : vector<512x1xf32> to vector<512x128xf32>
    %mul3A_137 = arith.mulf %mul3A_136, %slice3A_135 : vector<512x128xf32>
    %add3A_138 = arith.addf %mul3A_133, %mul3A_137 : vector<512x128xf32>
    %broadcast_in_dim3A_139 = vector.shape_cast %get3A_124 : vector<128xf32> to vector<1x128xf32>
    %add3A_140 = vector.broadcast %broadcast_in_dim3A_139 : vector<1x128xf32> to vector<512x128xf32>
    %add3A_141 = arith.addf %add3A_138, %add3A_140 : vector<512x128xf32>
    %get3A_142 = arith.constant 0 : index
    %get3A_143 = arith.constant 0 : index
    %get3A_144 = arith.constant 0 : index
    %get3A_145 = vector.load %arg13[%get3A_142, %get3A_143, %get3A_144] : memref<1x1x256xf32, #tpu.memory_space<vmem>>, vector<1x1x256xf32>
    %get3A_146 = vector.shape_cast %get3A_145 : vector<1x1x256xf32> to vector<256xf32>
    %get3A_147 = arith.constant 0 : index
    %get3A_148 = arith.constant 0 : index
    %get3A_149 = arith.constant 0 : index
    %get3A_150 = vector.load %arg15[%get3A_147, %get3A_148, %get3A_149] : memref<1x1x256xf32, #tpu.memory_space<vmem>>, vector<1x1x256xf32>
    %get3A_151 = vector.shape_cast %get3A_150 : vector<1x1x256xf32> to vector<256xf32>
    %get3A_152 = arith.constant 0 : index
    %get3A_153 = arith.constant 0 : index
    %get3A_154 = arith.constant 0 : index
    %get3A_155 = vector.load %arg16[%get3A_152, %get3A_153, %get3A_154] : memref<1x1x256xf32, #tpu.memory_space<vmem>>, vector<1x1x256xf32>
    %get3A_156 = vector.shape_cast %get3A_155 : vector<1x1x256xf32> to vector<1x256xf32>
    %get3A_157 = arith.constant 0 : index
    %get3A_158 = arith.constant 0 : index
    %get3A_159 = arith.constant 0 : index
    %get3A_160 = vector.load %arg17[%get3A_157, %get3A_158, %get3A_159] : memref<1x1x512xf32, #tpu.memory_space<vmem>>, vector<1x1x512xf32>
    %get3A_161 = vector.shape_cast %get3A_160 : vector<1x1x512xf32> to vector<512xf32>
    %get3A_162 = arith.constant 0 : index
    %get3A_163 = arith.constant 0 : index
    %get3A_164 = arith.constant 0 : index
    %get3A_165 = vector.load %arg12[%get3A_162, %get3A_163, %get3A_164] : memref<1x128x256xf32, #tpu.memory_space<vmem>>, vector<1x128x256xf32>
    %get3A_166 = vector.shape_cast %get3A_165 : vector<1x128x256xf32> to vector<128x256xf32>
    %convert_element_type3A_167 = arith.truncf %get3A_166 : vector<128x256xf32> to vector<128x256xbf16>
    %get3A_168 = arith.constant 0 : index
    %get3A_169 = arith.constant 0 : index
    %get3A_170 = arith.constant 0 : index
    %get3A_171 = vector.load %arg14[%get3A_168, %get3A_169, %get3A_170] : memref<1x256x256xf32, #tpu.memory_space<vmem>>, vector<1x256x256xf32>
    %get3A_172 = vector.shape_cast %get3A_171 : vector<1x256x256xf32> to vector<256x256xf32>
    %convert_element_type3A_173 = arith.truncf %get3A_172 : vector<256x256xf32> to vector<256x256xbf16>
    %convert_element_type3A_174 = arith.truncf %add3A_127 : vector<512x128xf32> to vector<512x128xbf16>
    %dot_general3A_175 = arith.constant dense<0.000000e+00> : vector<512x256xf32>
    %dot_general3A_176 = tpu.matmul %convert_element_type3A_174, %convert_element_type3A_167, %dot_general3A_175 {dimension_numbers = #tpu.dot_dimension_numbers<[1], [0], [0], [1], [0, 0, 1, 1], [], []>, transpose_lhs_hint = false} : vector<512x128xbf16>, vector<128x256xbf16>, vector<512x256xf32> -> vector<512x256xf32>
    %broadcast_in_dim3A_177 = vector.shape_cast %get3A_146 : vector<256xf32> to vector<1x256xf32>
    %add3A_178 = vector.broadcast %broadcast_in_dim3A_177 : vector<1x256xf32> to vector<512x256xf32>
    %add3A_179 = arith.addf %dot_general3A_176, %add3A_178 : vector<512x256xf32>
    %max3A_180 = arith.constant 0.000000e+00 : f32
    %max3A_181 = vector.broadcast %max3A_180 : f32 to vector<512x256xf32>
    %max3A_182 = arith.maximumf %add3A_179, %max3A_181 : vector<512x256xf32>
    %convert_element_type3A_183 = arith.truncf %max3A_182 : vector<512x256xf32> to vector<512x256xbf16>
    %dot_general3A_184 = arith.constant dense<0.000000e+00> : vector<512x256xf32>
    %dot_general3A_185 = tpu.matmul %convert_element_type3A_183, %convert_element_type3A_173, %dot_general3A_184 {dimension_numbers = #tpu.dot_dimension_numbers<[1], [0], [0], [1], [0, 0, 1, 1], [], []>, transpose_lhs_hint = false} : vector<512x256xbf16>, vector<256x256xbf16>, vector<512x256xf32> -> vector<512x256xf32>
    %broadcast_in_dim3A_186 = vector.shape_cast %get3A_151 : vector<256xf32> to vector<1x256xf32>
    %add3A_187 = vector.broadcast %broadcast_in_dim3A_186 : vector<1x256xf32> to vector<512x256xf32>
    %add3A_188 = arith.addf %dot_general3A_185, %add3A_187 : vector<512x256xf32>
    %max3A_189 = arith.constant 0.000000e+00 : f32
    %max3A_190 = vector.broadcast %max3A_189 : f32 to vector<512x256xf32>
    %max3A_191 = arith.maximumf %add3A_188, %max3A_190 : vector<512x256xf32>
    %mul3A_192 = vector.broadcast %get3A_156 : vector<1x256xf32> to vector<512x256xf32>
    %mul3A_193 = arith.mulf %max3A_191, %mul3A_192 : vector<512x256xf32>
    %reduce_sum3A_194 = arith.constant dense<0.000000e+00> : vector<512xf32>
    %reduce_sum3A_195 = vector.multi_reduction <add>, %mul3A_193, %reduce_sum3A_194 [1] : vector<512x256xf32> to vector<512xf32>
    %add3A_196 = arith.addf %reduce_sum3A_195, %get3A_161 : vector<512xf32>
    %neg3A = arith.constant 0.000000e+00 : f32
    %neg3A_197 = vector.broadcast %neg3A : f32 to vector<512xf32>
    %neg3A_198 = arith.subf %neg3A_197, %add3A_196 : vector<512xf32>
    %exp3A = math.exp %neg3A_198 : vector<512xf32>
    %add3A_199 = arith.constant 1.000000e+00 : f32
    %add3A_200 = vector.broadcast %add3A_199 : f32 to vector<512xf32>
    %add3A_201 = arith.addf %add3A_200, %exp3A : vector<512xf32>
    %div3A_202 = arith.constant 1.000000e+00 : f32
    %div3A_203 = vector.broadcast %div3A_202 : f32 to vector<512xf32>
    %div3A_204 = arith.divf %div3A_203, %add3A_201 : vector<512xf32>
    %swap3A = arith.constant 0 : index
    %swap3A_205 = arith.constant 0 : index
    %swap3A_206 = arith.constant 0 : index
    %swap3A_207 = vector.load %arg18[%swap3A, %swap3A_205, %swap3A_206] : memref<1x2x512xf32, #tpu.memory_space<vmem>>, vector<1x1x512xf32>
    %swap3A_208 = vector.shape_cast %swap3A_207 : vector<1x1x512xf32> to vector<512xf32>
    %swap3A_209 = vector.shape_cast %div3A_204 : vector<512xf32> to vector<1x1x512xf32>
    tpu.vector_store %arg18[%swap3A, %swap3A_205, %swap3A_206], %swap3A_209 {strides = array<i32>} : memref<1x2x512xf32, #tpu.memory_space<vmem>>, vector<1x1x512xf32>,
    %convert_element_type3A_210 = arith.truncf %add3A_141 : vector<512x128xf32> to vector<512x128xbf16>
    %dot_general3A_211 = arith.constant dense<0.000000e+00> : vector<512x256xf32>
    %dot_general3A_212 = tpu.matmul %convert_element_type3A_210, %convert_element_type3A_167, %dot_general3A_211 {dimension_numbers = #tpu.dot_dimension_numbers<[1], [0], [0], [1], [0, 0, 1, 1], [], []>, transpose_lhs_hint = false} : vector<512x128xbf16>, vector<128x256xbf16>, vector<512x256xf32> -> vector<512x256xf32>
    %broadcast_in_dim3A_213 = vector.shape_cast %get3A_146 : vector<256xf32> to vector<1x256xf32>
    %add3A_214 = vector.broadcast %broadcast_in_dim3A_213 : vector<1x256xf32> to vector<512x256xf32>
    %add3A_215 = arith.addf %dot_general3A_212, %add3A_214 : vector<512x256xf32>
    %max3A_216 = arith.constant 0.000000e+00 : f32
    %max3A_217 = vector.broadcast %max3A_216 : f32 to vector<512x256xf32>
    %max3A_218 = arith.maximumf %add3A_215, %max3A_217 : vector<512x256xf32>
    %convert_element_type3A_219 = arith.truncf %max3A_218 : vector<512x256xf32> to vector<512x256xbf16>
    %dot_general3A_220 = arith.constant dense<0.000000e+00> : vector<512x256xf32>
    %dot_general3A_221 = tpu.matmul %convert_element_type3A_219, %convert_element_type3A_173, %dot_general3A_220 {dimension_numbers = #tpu.dot_dimension_numbers<[1], [0], [0], [1], [0, 0, 1, 1], [], []>, transpose_lhs_hint = false} : vector<512x256xbf16>, vector<256x256xbf16>, vector<512x256xf32> -> vector<512x256xf32>
    %broadcast_in_dim3A_222 = vector.shape_cast %get3A_151 : vector<256xf32> to vector<1x256xf32>
    %add3A_223 = vector.broadcast %broadcast_in_dim3A_222 : vector<1x256xf32> to vector<512x256xf32>
    %add3A_224 = arith.addf %dot_general3A_221, %add3A_223 : vector<512x256xf32>
    %max3A_225 = arith.constant 0.000000e+00 : f32
    %max3A_226 = vector.broadcast %max3A_225 : f32 to vector<512x256xf32>
    %max3A_227 = arith.maximumf %add3A_224, %max3A_226 : vector<512x256xf32>
    %mul3A_228 = vector.broadcast %get3A_156 : vector<1x256xf32> to vector<512x256xf32>
    %mul3A_229 = arith.mulf %max3A_227, %mul3A_228 : vector<512x256xf32>
    %reduce_sum3A_230 = arith.constant dense<0.000000e+00> : vector<512xf32>
    %reduce_sum3A_231 = vector.multi_reduction <add>, %mul3A_229, %reduce_sum3A_230 [1] : vector<512x256xf32> to vector<512xf32>
    %add3A_232 = arith.addf %reduce_sum3A_231, %get3A_161 : vector<512xf32>
    %neg3A_233 = arith.constant 0.000000e+00 : f32
    %neg3A_234 = vector.broadcast %neg3A_233 : f32 to vector<512xf32>
    %neg3A_235 = arith.subf %neg3A_234, %add3A_232 : vector<512xf32>
    %exp3A_236 = math.exp %neg3A_235 : vector<512xf32>
    %add3A_237 = arith.constant 1.000000e+00 : f32
    %add3A_238 = vector.broadcast %add3A_237 : f32 to vector<512xf32>
    %add3A_239 = arith.addf %add3A_238, %exp3A_236 : vector<512xf32>
    %div3A_240 = arith.constant 1.000000e+00 : f32
    %div3A_241 = vector.broadcast %div3A_240 : f32 to vector<512xf32>
    %div3A_242 = arith.divf %div3A_241, %add3A_239 : vector<512xf32>
    %swap3A_243 = arith.constant 0 : index
    %swap3A_244 = arith.constant 1 : index
    %swap3A_245 = arith.constant 0 : index
    %swap3A_246 = vector.load %arg18[%swap3A_243, %swap3A_244, %swap3A_245] : memref<1x2x512xf32, #tpu.memory_space<vmem>>, vector<1x1x512xf32>
    %swap3A_247 = vector.shape_cast %swap3A_246 : vector<1x1x512xf32> to vector<512xf32>
    %swap3A_248 = vector.shape_cast %div3A_242 : vector<512xf32> to vector<1x1x512xf32>
    tpu.vector_store %arg18[%swap3A_243, %swap3A_244, %swap3A_245], %swap3A_248 {strides = array<i32>} : memref<1x2x512xf32, #tpu.memory_space<vmem>>, vector<1x1x512xf32>,
    return
  }
  func.func @transform_0(%arg0: i32) -> (i32, i32, i32) {
    %c0_i32 = arith.constant 0 : i32
    %c0_i32_0 = arith.constant 0 : i32
    %c0_i32_1 = arith.constant 0 : i32
    return %arg0, %c0_i32, %c0_i32_0 : i32, i32, i32
  }
  func.func @transform_1(%arg0: i32) -> (i32, i32, i32) {
    %add3A = arith.constant 32 : i32
    %add3A_0 = arith.addi %arg0, %add3A : i32
    %c0_i32 = arith.constant 0 : i32
    %c0_i32_1 = arith.constant 0 : i32
    %c0_i32_2 = arith.constant 0 : i32
    return %add3A_0, %c0_i32, %c0_i32_1 : i32, i32, i32
  }
  func.func @transform_2(%arg0: i32) -> (i32, i32, i32) {
    %add3A = arith.constant 16 : i32
    %add3A_0 = arith.addi %arg0, %add3A : i32
    %c0_i32 = arith.constant 0 : i32
    %c0_i32_1 = arith.constant 0 : i32
    %c0_i32_2 = arith.constant 0 : i32
    return %add3A_0, %c0_i32, %c0_i32_1 : i32, i32, i32
  }
  func.func @transform_3(%arg0: i32) -> (i32, i32, i32) {
    %add3A = arith.constant 48 : i32
    %add3A_0 = arith.addi %arg0, %add3A : i32
    %c0_i32 = arith.constant 0 : i32
    %c0_i32_1 = arith.constant 0 : i32
    %c0_i32_2 = arith.constant 0 : i32
    return %add3A_0, %c0_i32, %c0_i32_1 : i32, i32, i32
  }
  func.func @transform_4(%arg0: i32) -> (i32, i32, i32) {
    %c0_i32 = arith.constant 0 : i32
    %c0_i32_0 = arith.constant 0 : i32
    %c0_i32_1 = arith.constant 0 : i32
    return %arg0, %c0_i32, %c0_i32_0 : i32, i32, i32
  }
  func.func @transform_5(%arg0: i32) -> (i32, i32, i32) {
    %add3A = arith.constant 16 : i32
    %add3A_0 = arith.addi %arg0, %add3A : i32
    %c0_i32 = arith.constant 0 : i32
    %c0_i32_1 = arith.constant 0 : i32
    %c0_i32_2 = arith.constant 0 : i32
    return %add3A_0, %c0_i32, %c0_i32_1 : i32, i32, i32
  }
  func.func @transform_6(%arg0: i32) -> (i32, i32, i32) {
    %c0_i32 = arith.constant 0 : i32
    %c0_i32_0 = arith.constant 0 : i32
    %c0_i32_1 = arith.constant 0 : i32
    return %arg0, %c0_i32, %c0_i32_0 : i32, i32, i32
  }
  func.func @transform_7(%arg0: i32) -> (i32, i32, i32) {
    %c0_i32 = arith.constant 0 : i32
    %c0_i32_0 = arith.constant 0 : i32
    %c0_i32_1 = arith.constant 0 : i32
    %c0_i32_2 = arith.constant 0 : i32
    return %c0_i32, %c0_i32_0, %c0_i32_1 : i32, i32, i32
  }
  func.func @transform_8(%arg0: i32) -> (i32, i32, i32) {
    %c0_i32 = arith.constant 0 : i32
    %c0_i32_0 = arith.constant 0 : i32
    %c0_i32_1 = arith.constant 0 : i32
    %c0_i32_2 = arith.constant 0 : i32
    return %c0_i32, %c0_i32_0, %c0_i32_1 : i32, i32, i32
  }
  func.func @transform_9(%arg0: i32) -> (i32, i32, i32) {
    %c0_i32 = arith.constant 0 : i32
    %c0_i32_0 = arith.constant 0 : i32
    %c0_i32_1 = arith.constant 0 : i32
    %c0_i32_2 = arith.constant 0 : i32
    return %c0_i32, %c0_i32_0, %c0_i32_1 : i32, i32, i32
  }
  func.func @transform_10(%arg0: i32) -> (i32, i32, i32) {
    %c0_i32 = arith.constant 0 : i32
    %c0_i32_0 = arith.constant 0 : i32
    %c0_i32_1 = arith.constant 0 : i32
    %c0_i32_2 = arith.constant 0 : i32
    return %c0_i32, %c0_i32_0, %c0_i32_1 : i32, i32, i32
  }
  func.func @transform_11(%arg0: i32) -> (i32, i32, i32) {
    %c0_i32 = arith.constant 0 : i32
    %c0_i32_0 = arith.constant 0 : i32
    %c0_i32_1 = arith.constant 0 : i32
    %c0_i32_2 = arith.constant 0 : i32
    return %c0_i32, %c0_i32_0, %c0_i32_1 : i32, i32, i32
  }
  func.func @transform_12(%arg0: i32) -> (i32, i32, i32) {
    %c0_i32 = arith.constant 0 : i32
    %c0_i32_0 = arith.constant 0 : i32
    %c0_i32_1 = arith.constant 0 : i32
    %c0_i32_2 = arith.constant 0 : i32
    return %c0_i32, %c0_i32_0, %c0_i32_1 : i32, i32, i32
  }
  func.func @transform_13(%arg0: i32) -> (i32, i32, i32) {
    %c0_i32 = arith.constant 0 : i32
    %c0_i32_0 = arith.constant 0 : i32
    %c0_i32_1 = arith.constant 0 : i32
    %c0_i32_2 = arith.constant 0 : i32
    return %c0_i32, %c0_i32_0, %c0_i32_1 : i32, i32, i32
  }
  func.func @transform_14(%arg0: i32) -> (i32, i32, i32) {
    %c0_i32 = arith.constant 0 : i32
    %c0_i32_0 = arith.constant 0 : i32
    %c0_i32_1 = arith.constant 0 : i32
    %c0_i32_2 = arith.constant 0 : i32
    return %c0_i32, %c0_i32_0, %c0_i32_1 : i32, i32, i32
  }
  func.func @transform_15(%arg0: i32) -> (i32, i32, i32) {
    %c0_i32 = arith.constant 0 : i32
    %c0_i32_0 = arith.constant 0 : i32
    %c0_i32_1 = arith.constant 0 : i32
    %c0_i32_2 = arith.constant 0 : i32
    return %c0_i32, %c0_i32_0, %c0_i32_1 : i32, i32, i32
  }
  func.func @transform_16(%arg0: i32) -> (i32, i32, i32) {
    %c0_i32 = arith.constant 0 : i32
    %c0_i32_0 = arith.constant 0 : i32
    %c0_i32_1 = arith.constant 0 : i32
    %c0_i32_2 = arith.constant 0 : i32
    return %c0_i32, %c0_i32_0, %c0_i32_1 : i32, i32, i32
  }
  func.func @transform_17(%arg0: i32) -> (i32, i32, i32) {
    %c0_i32 = arith.constant 0 : i32
    %c0_i32_0 = arith.constant 0 : i32
    %c0_i32_1 = arith.constant 0 : i32
    return %arg0, %c0_i32, %c0_i32_0 : i32, i32, i32
  }
}

</mosaic_0001>

<sc_bundles>
// kernel: kernel.4.cloned.1.call-start
scs
__scs_entry_jumppad:
0x0: {  	(pc) =	sbr.rel $0x88, $3  }
0x1: {  	(tag) =	ssettag $0x0;
	lr =	simm.s32 $0x1  }
0x2: {  	[smem:$0x3F93] =	sst lr;
	_ =	strace $0xD0000000  }
0x3: {  	_ = 	snop  }
0x4: {  	_ = 	snop  }
0x5: {  	_ = 	snop  }
0x6: {  	_ = 	snop  }
0x7: {  	_ = 	snop  }
__scs_overlays_trampoline_lowered:
0x8: {  	[smem:$0x3FA2] =	sst s0  }
0x9: {  	[smem:$0x3FA3] =	sst s1  }
0xa: {  	[smem:$0x3FA4] =	sst s2  }
0xb: {  	[smem:$0x3FA5] =	sst s3  }
0xc: {  	[smem:$0x3FA6] =	sst s4  }
0xd: {  	[smem:$0x3FA7] =	sst s5  }
0xe: {  	[smem:$0x3FA8] =	sst s6  }
0xf: {  	[smem:$0x3FA9] =	sst s7  }
0x10: {  	[smem:$0x3FAA] =	sst s8  }
0x11: {  	[smem:$0x3FAB] =	sst s9;
	s0 =	simm.s32 @!p0 $0x0  }
0x12: {  	s1 =	sld [smem:$0x3F91];
	s0 =	simm.s32 @p0 $0x1  }
0x13: {  	[smem:$0x3FAC] =	sst s0;
	s0 =	simm.s32 @!p1 $0x0  }
0x14: {  	s2 =	sld [smem:$0x3F90];
	s0 =	simm.s32 @p1 $0x1  }
0x15: {  	[smem:$0x3FAD] =	sst s0;
	s0 =	simm.s32 @!p2 $0x0  }
0x16: {  	s3 =	sld [smem:$0x3FDB];
	s0 =	simm.s32 @p2 $0x1  }
0x17: {  	s4 =	simm.s32 $0x1BF5;
	[smem:$0x3FAF] =	sst s0  }
0x18: {  	s0 =	sld [smem:$0x3F92];
	_ =	swait.ge [sflag:s4], $0x0  }
0x19: {  	s7 =	sld [smem:$0x3F93]  }
0x1a: {  	s8 =	sadd.s32 $0xFFFFE003, lr  }
0x1b: {  	s9 =	sadd.s32 $0xFFFFFEF7, lr;
	s5 =	simm.s32 $0xFFFFFFFF;
	p2 =	slt.u32 s8, $0xFFFFF086  }
0x1c: {  	p1 =	slt.u32 s9, $0xF7A;
	s5 =	simm.s32 @!p2 $0x0  }
0x1d: {  	s5 =	simm.s32 @p1 $0x1;
	p0 =	seq.s32 s7, s2  }
0x1e: {  	s7 =	smul.u32 @!p0 $0xF7A, s2;
	p2 =	seq.s32 @!p0 s5, $0x0  }
0x1f: {  	s9 =	smul.u32 $0xF7A, s1;
	s8 =	simm.s32 @!p0 $0x1BF5;
	p2 =	por !p2, p0  }
0x20: {  	[sflag:s8] =	ssyncset.s32 @!p0 $0xFFFFF086;
	s6 =	sadd.s32 @!p0 s3, s7;
	s7 =	simm.s32 @!p0 $0x108  }
0x21: {  	s3 =	sadd.s32 s3, s9;
	s6 =	sadd.s32 @!p0 $0x88, s6;
	s7 =	simm.s32 @p2 $0x1082  }
0x22: {  	[simem:s7], [sflag:s8] =	dma.local @!p0 [hbm:s6], $0xF7A  }
0x23: {  	s9 =	sor.u32 $0xD0000000, s2;
	s6 =	simm.s32 $0x108;
	_ =	swait.ge @!p0 [sflag:s8], $0x0  }
0x24: {  	s3 =	sadd.s32 $0x88, s3;
	s6 =	simm.s32 @!p1 $0x1082;
	[sflag:s4] =	ssyncset.s32 $0xFFFFF086  }
0x25: {  	[simem:s6], [sflag:s4] =	dma.local [hbm:s3], $0xF7A  }
0x26: {  	[smem:$0x3F93] =	sst s1;
	(tag) =	ssettag s2;
	_ =	strace s9  }
0x27: {  	s1 =	sld [smem:$0x3FA3]  }
0x28: {  	s2 =	sld [smem:$0x3FA4]  }
0x29: {  	s4 =	sld [smem:$0x3FA6]  }
0x2a: {  	p0 =	seq.s32 s5, $0x0;
	s5 =	sld [smem:$0x3FA7]  }
0x2b: {  	s6 =	sld [smem:$0x3FA8]  }
0x2c: {  	s7 =	sld [smem:$0x3FA9]  }
0x2d: {  	s3 =	simm.s32 $0x108;
	s8 =	sld [smem:$0x3FAA]  }
0x2e: {  	s3 =	simm.s32 @!p0 $0x1082;
	s9 =	sld [smem:$0x3FAB]  }
0x2f: {  	lr =	sadd.s32 s0, s3;
	s0 =	sld [smem:$0x3FA2]  }
0x30: {  	s3 =	sld [smem:$0x3FA5]  }
0x31: {  	[smem:$0x3FAE] =	sst s10  }
0x32: {  	s10 =	sld [smem:$0x3FAC];
	_ =	sdelay $0x3  }
0x33: {  	p0 =	seq.s32 s10, $0x1;
	s10 =	sld [smem:$0x3FAE];
	_ =	sdelay $0x3  }
0x34: {  	[smem:$0x3FAE] =	sst s10  }
0x35: {  	s10 =	sld [smem:$0x3FAD];
	_ =	sdelay $0x3  }
0x36: {  	p1 =	seq.s32 s10, $0x1;
	s10 =	sld [smem:$0x3FAE];
	_ =	sdelay $0x3  }
0x37: {  	[smem:$0x3FAE] =	sst s10  }
0x38: {  	s10 =	sld [smem:$0x3FAF]  }
0x39: {  	_ = 	snop;
	(pc) =	sbr.ind lr, $3  }
0x3a: {  	_ = 	snop  }
0x3b: {  	_ = 	snop  }
0x3c: {  	p2 =	seq.s32 s10, $0x1;
	s10 =	sld [smem:$0x3FAE]  }
0x3d: {  	_ =	shalt  }
0x3e: {  	_ =	shalt  }
0x3f: {  	_ =	shalt  }
0x40: {  	_ =	shalt  }
0x41: {  	_ =	shalt  }
0x42: {  	_ =	shalt  }
0x43: {  	_ =	shalt  }
0x44: {  	_ =	shalt  }
0x45: {  	_ =	shalt  }
0x46: {  	_ =	shalt  }
0x47: {  	_ =	shalt  }
0x48: {  	_ =	shalt  }
0x49: {  	_ =	shalt  }
0x4a: {  	_ =	shalt  }
0x4b: {  	_ =	shalt  }
0x4c: {  	_ =	shalt  }
0x4d: {  	_ =	shalt  }
0x4e: {  	_ =	shalt  }
0x4f: {  	_ =	shalt  }
0x50: {  	_ =	shalt  }
0x51: {  	_ =	shalt  }
0x52: {  	_ =	shalt  }
0x53: {  	_ =	shalt  }
0x54: {  	_ =	shalt  }
0x55: {  	_ =	shalt  }
0x56: {  	_ =	shalt  }
0x57: {  	_ =	shalt  }
0x58: {  	_ =	shalt  }
0x59: {  	_ =	shalt  }
0x5a: {  	_ =	shalt  }
0x5b: {  	_ =	shalt  }
0x5c: {  	_ =	shalt  }
0x5d: {  	_ =	shalt  }
0x5e: {  	_ =	shalt  }
0x5f: {  	_ =	shalt  }
0x60: {  	_ =	shalt  }
0x61: {  	_ =	shalt  }
0x62: {  	_ =	shalt  }
0x63: {  	_ =	shalt  }
0x64: {  	_ =	shalt  }
0x65: {  	_ =	shalt  }
0x66: {  	_ =	shalt  }
0x67: {  	_ =	shalt  }
0x68: {  	_ =	shalt  }
0x69: {  	_ =	shalt  }
0x6a: {  	_ =	shalt  }
0x6b: {  	_ =	shalt  }
0x6c: {  	_ =	shalt  }
0x6d: {  	_ =	shalt  }
0x6e: {  	_ =	shalt  }
0x6f: {  	_ =	shalt  }
0x70: {  	_ =	shalt  }
0x71: {  	_ =	shalt  }
0x72: {  	_ =	shalt  }
0x73: {  	_ =	shalt  }
0x74: {  	_ =	shalt  }
0x75: {  	_ =	shalt  }
0x76: {  	_ =	shalt  }
0x77: {  	_ =	shalt  }
0x78: {  	_ =	shalt  }
0x79: {  	_ =	shalt  }
0x7a: {  	_ =	shalt  }
0x7b: {  	_ =	shalt  }
0x7c: {  	_ =	shalt  }
0x7d: {  	_ =	shalt  }
0x7e: {  	_ =	shalt  }
0x7f: {  	_ =	shalt  }
0x80: {  	_ =	shalt  }
0x81: {  	_ =	shalt  }
0x82: {  	_ =	shalt  }
0x83: {  	_ =	shalt  }
0x84: {  	_ =	shalt  }
0x85: {  	_ =	shalt  }
0x86: {  	_ =	shalt  }
0x87: {  	_ =	shalt  }
.Lfunc_end0:
.L_simem_size_0:
called_computation_lowered:
.L_overlay_start_0:
0x88: {  	s2 =	sld [smem:$0x3FD9]  }
0x89: {  	s3 =	sld [smem:$0x3FFE];
	_ =	sdelay $0x1  }
0x8a: {  	s1 =	srdreg.scid  }
0x8b: {  	s0 =	sand.u32 $0x1, s1  }
0x8c: {  	s17 =	sshll.u32 s0, $0xA;
	s2 =	sadd.s32 s3, s2  }
0x8d: {  	s2 =	sadd.s32 s2, s17  }
0x8e: {  	[smem:$0x3FBA] =	sst s2  }
0x8f: {  	_ = 	snop  }
0x90: {  	s2 =	sld [smem:$0x3FC6]  }
0x91: {  	s18 =	sld [smem:$0x3FD0];
	(tm) =	ssettm $0x1  }
0x92: {  	s4 =	sld [smem:$0x3FFB];
	_ =	sdelay $0x3  }
0x93: {  	_ =	strace s4  }
0x94: {  	s4 =	sld [smem:$0x3FFC];
	_ =	sdelay $0x3  }
0x95: {  	_ =	strace s4  }
0x96: {  	s4 =	sld [smem:$0x3FFD];
	_ =	sdelay $0x3  }
0x97: {  	_ =	strace s4  }
0x98: {  	_ =	strace $0x8FFFFFFF  }
0x99: {  	s19 =	sld [smem:$0x3FDB];
	_ =	sdelay $0x1  }
0x9a: {  	s5 =	simm.s32 $_scs_section_size  }
0x9b: {  	s6 =	simm.s32 $_size__tile_overlayer_lowered;
	s7 =	simm.s32 $_tile_overlayer_lowered  }
0x9c: {  	s22 =	simm.s32 $0x1BFF;
	s21 =	sshll.u32 s7, $0x1;
	s4 =	sadd.s32 s5, s19  }
0x9d: {  	s8 =	simm.s32 $0x0;
	s20 =	sshll.u32 s6, $0x1;
	s6 =	sadd.s32 s21, s4  }
0x9e: {  	[timem:s8], [sflag:s22] =	dma.local [hbm:s6], s20  }
0x9f: {  	_ =	swait.ge [sflag:s22], s20  }
0xa0: {  	s5 =	ssub.s32 $0x0, s20;
	[sflag:s22] =	ssyncset.done $0x0  }
0xa1: {  	[sflag:s22] =	ssyncadd.s32 s5;
	_ =	sdelay $0x1  }
0xa2: {  	s23 =	simm.s32 $0x1B8B  }
0xa3: {  	_ =	swait.ge [sflag:s23], $0x1  }
0xa4: {  	[sflag:s23] =	ssyncset.done $0x0  }
0xa5: {  	s25 =	simm.s32 $0x1B8E;
	s24 =	sld [smem:$0x3FFE];
	[sflag:s23] =	ssyncadd.s32 $0xFFFFFFFF  }
0xa6: {  	s26 =	simm.s32 $execute0_lowered;
	[smem:$0x3FD2] =	sst s25  }
0xa7: {  	s6 =	sshll.u32 s26, $0x1;
	_ =	strace $0x80000046;
	[dreg:$0x1] =	wrdreg $0xFFFFFFFF  }
0xa8: {  	s28 =	simm.s32 $_size_execute0_lowered;
	s4 =	sadd.s32 s4, s6;
	[dreg:$0x0] =	wrdreg $0x0  }
0xa9: {  	s6 =	sshll.u32 s28, $0x1;
	[dreg:$0x2] =	wrdreg s4  }
0xaa: {  	[dreg:$0x3] =	wrdreg s6  }
0xab: {  	[dreg:$0x4] =	wrdreg $0xC0  }
0xac: {  	_ =	task [dreg:s8], $0x5FFFF  }
0xad: {  	[dreg:$0x1] =	wrdreg $0xFFFFFFFF  }
0xae: {  	[dreg:$0x0] =	wrdreg $0x60  }
0xaf: {  	[dreg:$0x2] =	wrdreg s24  }
0xb0: {  	[dreg:$0x3] =	wrdreg s18  }
0xb1: {  	[dreg:$0x4] =	wrdreg s2  }
0xb2: {  	[dreg:$0x5] =	wrdreg $0x9  }
0xb3: {  	_ =	task.clear_ibuf [dreg:s8], $0x6FFFF;
	_ =	strace $0x90000046  }
0xb4: {  	s29 =	simm.s32 $0x9;
	_ =	strace $0x80000048  }
0xb5: {  	_ =	swait.ge [sflag:s29], $0x1  }
0xb6: {  	[sflag:s29] =	ssyncadd.s32 $0xFFFFFFFF  }
0xb7: {  	_ =	strace $0x90000048  }
0xb8: {  	_ =	sfence  }
0xb9: {  	s30 =	sld [smem:$0x0];
	_ =	sdelay $0x2  }
0xba: {  	s31 =	sshll.u32 s1, $0xD;
	s1 =	sshrl.u32 s1, $0x2  }
0xbb: {  	s3 =	sand.u32 $0x4000, s31;
	s1 =	sadd.s32 s1, s30  }
0xbc: {  	s0 =	sor.u32 s3, s0;
	s1 =	sshll.u32 s1, $0x11  }
0xbd: {  	s0 =	sor.u32 s1, s0  }
0xbe: {  	s0 =	sadd.s32 $0x8F2B, s0  }
0xbf: {  	[sflag:s0] =	ssyncadd.remote.s32 $0x1  }
0xc0: {  	_ =	sfence.sel $0xFFFF  }
0xc1: {  	[dreg:$0x0] =	wrdreg $0xFFFFFFFF;
	(pc) =	sbr.abs _section_cstart, $3  }
0xc2: {  	[dreg:$0x1] =	wrdreg $0xFFFFFFFF  }
0xc3: {  	_ =	task.clear_ibuf [dreg:s8], $0x2FFFF;
	_ =	strace $0x9FFFFFFF  }
0xc4: {  	(tm) =	ssettm $0x7FFFFFFF  }
0xc5: {  	_ =	shalt  }
tec
execute0_lowered:
.L_overlay_start_1:
0x0: {  	(tag) =	ssettag $0x1  }
0x1: {  	s1 =	srdreg.scid;
	s5 =	rddreg [dreg:$0x0]  }
0x2: {  	s0 =	stileid.u32;
	s9 =	rddreg [dreg:$0x1]  }
0x3: {  	s2 =	rddreg [dreg:$0x2];
	s3 =	simm.s32 $0x0;
	s18 =	simm.s32 $0x4  }
0x4: {  	s19 =	simm.s32 $0x0;
	s7 =	sand.u32 $0x1, s1;
	s29 =	sshll.u32 s0, $0x1  }
0x5: {  	s1 =	simm.s32 $0x1;
	[smem:$0x7FF] =	sst s3;
	s12 =	sadd.s32 $0x13200, s5  }
0x6: {  	s8 =	sor.u32 s7, s29;
	p1 =	seq.s32 s7, $0x1;
	s11 =	ssub.s32 $0x2, s7  }
0x7: {  	s15 =	sshll.u32 s7, $0x8;
	s30 =	sshll.u32 s7, $0x11;
	p0 =	seq.s32 s8, $0x0  }
0x8: {  	s13 =	sshll.u32 s8, $0x9;
	s14 =	sshrl.u32 s11, $0x1;
	s17 =	sor.u32 $0x80, s15  }
0x9: {  	s7 =	sadd.s32 s9, s8;
	s8 =	sadd.s32 $0x100, s2;
	v0 =	vmov s15;
	s15 =	simm.s32 $0x4000  }
0xa: {  	p0 =	por !p0, !p1;
	s13 =	sadd.s32 s13, s5;
	s14 =	ssub.s32 s11, s14  }
0xb: {  	s16 =	sshll.u32 s17, $0x9;
	v1 =	vmov s17;
	s17 =	simm.s32 $0x8000;
	p0 =	por !p0, !p0  }
0xc: {  	s11 =	sadd.s32 $0x12200, s13;
	s13 =	simm.s32 $0x80;
	s1 =	simm.s32 @!p0 $0x0  }
0xd: {  	p0 =	sgt.u32 s0, $0x3;
	s10 =	ssub.s32 s0, s1;
	s1 =	rddreg [dreg:$0x3]  }
0xe: {  	_ =	strace $0x80000047;
	s4 =	sshll.u32 s10, $0xE;
	s6 =	sshll.u32 s10, $0x7  }
0xf: {  	s10 =	sshll.u32 s10, $0x12;
	s4 =	sand.u32 $0xFFFE0000, s4;
	s6 =	sand.u32 $0x380, s6  }
0x10: {  	s31 =	sor.u32 s30, s10;
	s10 =	sor.u32 s16, s10;
	s16 =	simm.s32 $0x2  }
0x11: {  	s4 =	sor.u32 s6, s4;
	s9 =	sshrl.u32 s31, $0x3;
	s10 =	sshrl.u32 s10, $0x3  }
0x12: {  	s6 =	sshrl.u32 s4, $0x3;
	s4 =	simm.s32 $0x1;
	s9 =	sadd.s32 s12, s9  }
0x13: {  	s10 =	sadd.s32 s12, s10;
	s12 =	smax.u32 s14, $0x1;
	s6 =	sadd.s32 s6, s5  }
0x14: {  	v2 =	vimm.f32 $0.0e+00;
	vm0 =	vmmov @!p0 $0xffff;
	s14 =	simm.s32 $0x400;
	s5 =	sadd.s32 $0x2200, s6;
	s6 =	sadd.s32 $0xA200, s6  }
.LBB2_1:
0x15: {  	[tilespmem:s3], [sflag:$0x1] =	stream.strided.gather [hbm4b:s5+s13], $0x4000, s14, s13, $0x38;
	[tilespmem:$0x19080] =	vst v63  }
0x16: {  	_ = 	snop  }
0x17: {  	[tilespmem:s15], [sflag:$0x2] =	stream.strided.gather [hbm4b:s6+s13], $0x4000, s14, s13, $0x38;
	[tilespmem:$0x19080] =	vst v63  }
0x18: {  	s20 =	simm.s32 @!p0 $0x0;
	s21 =	simm.s32 @!p0 $0x18000  }
0x19: {  	[tilespmem:s21], [sflag:$0x4] =	stream.linear.gather @!p0 [hbm4b:s7+s20], $0x8, $0x38;
	[tilespmem:$0x19080] =	vst v63  }
0x1a: {  	s21 =	simm.s32 @!p0 $0x4  }
0x1b: {  	_ =	swait.ge @!p0 [sflag:s21], $0x8  }
0x1c: {  	[sflag:s21] =	ssyncset.done @!p0 $0x0  }
0x1d: {  	[sflag:s21] =	ssyncadd.s32 @!p0 $0xFFFFFFF8  }
0x1e: {  	v3 =	vld.msk @!p0 [tilespmem:$0x18000], $0xff;
	_ =	sdelay $0x4  }
0x1f: {  	v4 =	vshll.u32 @!p0 v3, $0x2  }
0x20: {  	v5 =	vlaneseq.u32 @!p0;
	v3 =	vand.u32 @!p0 $0x7, v3;
	v4 =	vand.u32 @!p0 $0xFFFFFFE0, v4  }
0x21: {  	v3 =	vor.u32 @!p0 v3, v4;
	v4 =	vand.u32 @!p0 $0x7, v5;
	v5 =	vshrl.u32 @!p0 v5, $0x3  }
0x22: {  	v3 =	vperm.xlane @!p0 v3, v4;
	v4 =	vmul.u32 @!p0 $0x8, v5;
	_ =	sdelay $0x1  }
0x23: {  	v3 =	vadd.s32 @!p0 v4, v3;
	_ =	sdelay $0x3  }
0x24: {  	s21 =	simm.s32 @!p0 $0x18080  }
0x25: {  	[tilespmem:s21], [sflag:$0x3] =	stream.indirect_vreg.gather @!p0 [hbm4b:s2+s20], $0x80, v3, vm0, $0xb8;
	[tilespmem:$0x19080] =	vst v63  }
0x26: {  	s30 =	sand.u32 $0xF000, s3;
	s31 =	sand.u32 $0x380, s3;
	s21 =	simm.s32 @!p0 $0x18880  }
0x27: {  	[tilespmem:s21], [sflag:$0x3] =	stream.indirect_vreg.gather @!p0 [hbm4b:s8+s20], $0x80, v3, vm0, $0xb8;
	[tilespmem:$0x19080] =	vst v63  }
0x28: {  	s20 =	sor.u32 s31, s30  }
0x29: {  	[tilespmem:s20+$0x8C70] =	vst v2  }
0x2a: {  	[tilespmem:s20+$0x8000] =	vst v2  }
0x2b: {  	[tilespmem:s20+$0x8010] =	vst v2  }
0x2c: {  	[tilespmem:s20+$0x8020] =	vst v2  }
0x2d: {  	[tilespmem:s20+$0x8030] =	vst v2  }
0x2e: {  	[tilespmem:s20+$0x8040] =	vst v2  }
0x2f: {  	[tilespmem:s20+$0x8050] =	vst v2  }
0x30: {  	[tilespmem:s20+$0x8060] =	vst v2  }
0x31: {  	[tilespmem:s20+$0x8070] =	vst v2  }
0x32: {  	[tilespmem:s20+$0x8400] =	vst v2  }
0x33: {  	[tilespmem:s20+$0x8410] =	vst v2  }
0x34: {  	[tilespmem:s20+$0x8420] =	vst v2  }
0x35: {  	[tilespmem:s20+$0x8430] =	vst v2  }
0x36: {  	[tilespmem:s20+$0x8440] =	vst v2  }
0x37: {  	[tilespmem:s20+$0x8450] =	vst v2  }
0x38: {  	[tilespmem:s20+$0x8460] =	vst v2  }
0x39: {  	[tilespmem:s20+$0x8470] =	vst v2  }
0x3a: {  	[tilespmem:s20+$0x8800] =	vst v2  }
0x3b: {  	[tilespmem:s20+$0x8810] =	vst v2  }
0x3c: {  	[tilespmem:s20+$0x8820] =	vst v2  }
0x3d: {  	[tilespmem:s20+$0x8830] =	vst v2  }
0x3e: {  	[tilespmem:s20+$0x8840] =	vst v2  }
0x3f: {  	[tilespmem:s20+$0x8850] =	vst v2  }
0x40: {  	[tilespmem:s20+$0x8860] =	vst v2  }
0x41: {  	[tilespmem:s20+$0x8870] =	vst v2  }
0x42: {  	[tilespmem:s20+$0x8C00] =	vst v2  }
0x43: {  	[tilespmem:s20+$0x8C10] =	vst v2  }
0x44: {  	[tilespmem:s20+$0x8C20] =	vst v2  }
0x45: {  	[tilespmem:s20+$0x8C30] =	vst v2  }
0x46: {  	s22 =	simm.s32 $0x200;
	s21 =	simm.s32 $0x80;
	[tilespmem:s20+$0x8C40] =	vst v2  }
0x47: {  	s23 =	sand.u32 $0xF000, s22;
	s22 =	simm.s32 $0x400;
	s24 =	sand.u32 $0x380, s21;
	[tilespmem:s20+$0x8C50] =	vst v2  }
.LBB2_2:
0x48: {  	p1 =	sne.s32 s22, $0xFE00;
	[tilespmem:s20+$0x8C60] =	vst v2;
	s20 =	sor.u32 s24, s23  }
0x49: {  	[tilespmem:s20+$0x8C70] =	vst v2  }
0x4a: {  	[tilespmem:s20+$0x8000] =	vst v2  }
0x4b: {  	[tilespmem:s20+$0x8010] =	vst v2  }
0x4c: {  	[tilespmem:s20+$0x8020] =	vst v2  }
0x4d: {  	[tilespmem:s20+$0x8030] =	vst v2  }
0x4e: {  	[tilespmem:s20+$0x8040] =	vst v2  }
0x4f: {  	[tilespmem:s20+$0x8050] =	vst v2  }
0x50: {  	[tilespmem:s20+$0x8060] =	vst v2  }
0x51: {  	[tilespmem:s20+$0x8070] =	vst v2  }
0x52: {  	[tilespmem:s20+$0x8400] =	vst v2  }
0x53: {  	[tilespmem:s20+$0x8410] =	vst v2  }
0x54: {  	[tilespmem:s20+$0x8420] =	vst v2  }
0x55: {  	[tilespmem:s20+$0x8430] =	vst v2  }
0x56: {  	[tilespmem:s20+$0x8440] =	vst v2  }
0x57: {  	[tilespmem:s20+$0x8450] =	vst v2  }
0x58: {  	[tilespmem:s20+$0x8460] =	vst v2  }
0x59: {  	[tilespmem:s20+$0x8470] =	vst v2  }
0x5a: {  	[tilespmem:s20+$0x8800] =	vst v2  }
0x5b: {  	[tilespmem:s20+$0x8810] =	vst v2  }
0x5c: {  	[tilespmem:s20+$0x8820] =	vst v2  }
0x5d: {  	[tilespmem:s20+$0x8830] =	vst v2  }
0x5e: {  	[tilespmem:s20+$0x8840] =	vst v2  }
0x5f: {  	[tilespmem:s20+$0x8850] =	vst v2  }
0x60: {  	[tilespmem:s20+$0x8860] =	vst v2  }
0x61: {  	[tilespmem:s20+$0x8870] =	vst v2  }
0x62: {  	[tilespmem:s20+$0x8C00] =	vst v2  }
.Ltmp0:
0x63: {  	[tilespmem:s20+$0x8C10] =	vst v2;
	(pc) =	sbr.rel @p1 .LBB2_2-.Ltmp0, $4  }
0x64: {  	[tilespmem:s20+$0x8C20] =	vst v2  }
0x65: {  	[tilespmem:s20+$0x8C30] =	vst v2  }
0x66: {  	s21 =	sadd.s32 $0x80, s21;
	[tilespmem:s20+$0x8C40] =	vst v2  }
0x67: {  	s23 =	sand.u32 $0xF000, s22;
	s22 =	sadd.s32 $0x200, s22;
	s24 =	sand.u32 $0x380, s21;
	[tilespmem:s20+$0x8C50] =	vst v2  }
0x68: {  	s21 =	sor.u32 s24, s23;
	[tilespmem:s20+$0x8C60] =	vst v2  }
0x69: {  	[tilespmem:s21+$0x8C70] =	vst v2  }
0x6a: {  	[tilespmem:s21+$0x8000] =	vst v2  }
0x6b: {  	[tilespmem:s21+$0x8010] =	vst v2  }
0x6c: {  	[tilespmem:s21+$0x8020] =	vst v2  }
0x6d: {  	[tilespmem:s21+$0x8030] =	vst v2  }
0x6e: {  	[tilespmem:s21+$0x8040] =	vst v2  }
0x6f: {  	[tilespmem:s21+$0x8050] =	vst v2  }
0x70: {  	[tilespmem:s21+$0x8060] =	vst v2  }
0x71: {  	[tilespmem:s21+$0x8070] =	vst v2  }
0x72: {  	[tilespmem:s21+$0x8400] =	vst v2  }
0x73: {  	[tilespmem:s21+$0x8410] =	vst v2  }
0x74: {  	[tilespmem:s21+$0x8420] =	vst v2  }
0x75: {  	[tilespmem:s21+$0x8430] =	vst v2  }
0x76: {  	[tilespmem:s21+$0x8440] =	vst v2  }
0x77: {  	[tilespmem:s21+$0x8450] =	vst v2  }
0x78: {  	[tilespmem:s21+$0x8460] =	vst v2  }
0x79: {  	[tilespmem:s21+$0x8470] =	vst v2  }
0x7a: {  	[tilespmem:s21+$0x8800] =	vst v2  }
0x7b: {  	[tilespmem:s21+$0x8810] =	vst v2  }
0x7c: {  	[tilespmem:s21+$0x8820] =	vst v2  }
0x7d: {  	[tilespmem:s21+$0x8830] =	vst v2  }
0x7e: {  	[tilespmem:s21+$0x8840] =	vst v2  }
0x7f: {  	[tilespmem:s21+$0x8850] =	vst v2  }
0x80: {  	[tilespmem:s21+$0x8860] =	vst v2  }
0x81: {  	[tilespmem:s21+$0x8870] =	vst v2  }
0x82: {  	[tilespmem:s21+$0x8C00] =	vst v2  }
0x83: {  	[tilespmem:s21+$0x8C10] =	vst v2  }
0x84: {  	[tilespmem:s21+$0x8C20] =	vst v2  }
0x85: {  	[tilespmem:s21+$0x8C30] =	vst v2  }
0x86: {  	[tilespmem:s21+$0x8C40] =	vst v2  }
0x87: {  	[tilespmem:s21+$0x8C50] =	vst v2  }
0x88: {  	[tilespmem:s21+$0x8C60] =	vst v2  }
0x89: {  	_ =	swait.ge [sflag:s4], $0x4000  }
0x8a: {  	[sflag:s4] =	ssyncset.done $0x0  }
0x8b: {  	[sflag:s4] =	ssyncadd.s32 $0xFFFFC000  }
0x8c: {  	_ =	swait.ge [sflag:s16], $0x4000  }
0x8d: {  	[sflag:s16] =	ssyncset.done $0x0  }
0x8e: {  	s20 =	simm.s32 $0x0;
	[sflag:s16] =	ssyncadd.s32 $0xFFFFC000  }
.LBB2_4:
0x8f: {  	s21 =	sshra.s32 s20, $0x2  }
0x90: {  	v3 =	vld [tilespmem:s21+$0x4000];
	_ =	sdelay $0x2  }
0x91: {  	v4 =	vld [tilespmem:s21+$0x0];
	_ =	sdelay $0x1  }
0x92: {  	v3 =	vsub.s32 v3, v0  }
0x93: {  	vm1 =	vlt.u32 v3, $0x80  }
0x94: {  	v3 =	vnsel vm1, $0x0, v3  }
0x95: {  	v6 =	vshll.u32 v4, $0x3;
	v5 =	vshll.u32 v3, $0x9  }
0x96: {  	v6 =	vand.u32 $0xFFFFFC00, v6;
	v3 =	vshll.u32 v3, $0x7;
	v5 =	vand.u32 $0xFFFFF000, v5  }
0x97: {  	v3 =	vand.u32 $0x380, v3;
	v5 =	vadd.s32 v6, v5  }
0x98: {  	v4 =	vand.u32 $0x7F, v4;
	v3 =	vor.u32 v3, v5  }
0x99: {  	v3 =	vor.u32 v4, v3;
	_ =	sdelay $0x3  }
0x9a: {  	v42 =	vsel vm1, $0x3F800000, v2  }
0x9b: {  	[tilespmem:v3+s17+$0x0] =	vst.idx.add.f32.msk $0xffff, v42  }
0x9c: {  	v3 =	vld [tilespmem:s21+$0x4010];
	_ =	sdelay $0x2  }
0x9d: {  	v4 =	vld [tilespmem:s21+$0x10];
	_ =	sdelay $0x1  }
0x9e: {  	v3 =	vsub.s32 v3, v0  }
0x9f: {  	vm1 =	vlt.u32 v3, $0x80  }
0xa0: {  	v3 =	vnsel vm1, $0x0, v3  }
0xa1: {  	v44 =	vshll.u32 v4, $0x3;
	v43 =	vshll.u32 v3, $0x9  }
0xa2: {  	v6 =	vand.u32 $0xFFFFFC00, v44;
	v3 =	vshll.u32 v3, $0x7;
	v5 =	vand.u32 $0xFFFFF000, v43  }
0xa3: {  	v3 =	vand.u32 $0x380, v3;
	v5 =	vadd.s32 v6, v5  }
0xa4: {  	v4 =	vand.u32 $0x7F, v4;
	v3 =	vor.u32 v3, v5  }
0xa5: {  	v3 =	vor.u32 v4, v3;
	_ =	sdelay $0x3  }
0xa6: {  	v45 =	vsel vm1, $0x3F800000, v2  }
0xa7: {  	[tilespmem:v3+s17+$0x0] =	vst.idx.add.f32.msk $0xffff, v45  }
0xa8: {  	v3 =	vld [tilespmem:s21+$0x4020];
	_ =	sdelay $0x2  }
0xa9: {  	v4 =	vld [tilespmem:s21+$0x20];
	_ =	sdelay $0x1  }
0xaa: {  	v3 =	vsub.s32 v3, v0  }
0xab: {  	vm1 =	vlt.u32 v3, $0x80  }
0xac: {  	v3 =	vnsel vm1, $0x0, v3  }
0xad: {  	v47 =	vshll.u32 v4, $0x3;
	v46 =	vshll.u32 v3, $0x9  }
0xae: {  	v6 =	vand.u32 $0xFFFFFC00, v47;
	v3 =	vshll.u32 v3, $0x7;
	v5 =	vand.u32 $0xFFFFF000, v46  }
0xaf: {  	v3 =	vand.u32 $0x380, v3;
	v5 =	vadd.s32 v6, v5  }
0xb0: {  	v4 =	vand.u32 $0x7F, v4;
	v3 =	vor.u32 v3, v5  }
0xb1: {  	v3 =	vor.u32 v4, v3;
	_ =	sdelay $0x3  }
0xb2: {  	v48 =	vsel vm1, $0x3F800000, v2  }
0xb3: {  	[tilespmem:v3+s17+$0x0] =	vst.idx.add.f32.msk $0xffff, v48  }
0xb4: {  	v3 =	vld [tilespmem:s21+$0x4030];
	_ =	sdelay $0x2  }
0xb5: {  	v4 =	vld [tilespmem:s21+$0x30];
	_ =	sdelay $0x1  }
0xb6: {  	v3 =	vsub.s32 v3, v0  }
0xb7: {  	vm1 =	vlt.u32 v3, $0x80  }
0xb8: {  	v3 =	vnsel vm1, $0x0, v3  }
0xb9: {  	v50 =	vshll.u32 v4, $0x3;
	v49 =	vshll.u32 v3, $0x9  }
0xba: {  	v6 =	vand.u32 $0xFFFFFC00, v50;
	v3 =	vshll.u32 v3, $0x7;
	v5 =	vand.u32 $0xFFFFF000, v49  }
0xbb: {  	v3 =	vand.u32 $0x380, v3;
	v5 =	vadd.s32 v6, v5  }
0xbc: {  	v4 =	vand.u32 $0x7F, v4;
	v3 =	vor.u32 v3, v5  }
0xbd: {  	v3 =	vor.u32 v4, v3;
	_ =	sdelay $0x3  }
0xbe: {  	v51 =	vsel vm1, $0x3F800000, v2  }
0xbf: {  	[tilespmem:v3+s17+$0x0] =	vst.idx.add.f32.msk $0xffff, v51  }
0xc0: {  	v3 =	vld [tilespmem:s21+$0x4040];
	_ =	sdelay $0x2  }
0xc1: {  	v4 =	vld [tilespmem:s21+$0x40];
	_ =	sdelay $0x1  }
0xc2: {  	v3 =	vsub.s32 v3, v0  }
0xc3: {  	vm1 =	vlt.u32 v3, $0x80  }
0xc4: {  	v3 =	vnsel vm1, $0x0, v3  }
0xc5: {  	v53 =	vshll.u32 v4, $0x3;
	v52 =	vshll.u32 v3, $0x9  }
0xc6: {  	v6 =	vand.u32 $0xFFFFFC00, v53;
	v3 =	vshll.u32 v3, $0x7;
	v5 =	vand.u32 $0xFFFFF000, v52  }
0xc7: {  	v3 =	vand.u32 $0x380, v3;
	v5 =	vadd.s32 v6, v5  }
0xc8: {  	v4 =	vand.u32 $0x7F, v4;
	v3 =	vor.u32 v3, v5  }
0xc9: {  	v3 =	vor.u32 v4, v3;
	_ =	sdelay $0x3  }
0xca: {  	v54 =	vsel vm1, $0x3F800000, v2  }
0xcb: {  	[tilespmem:v3+s17+$0x0] =	vst.idx.add.f32.msk $0xffff, v54  }
0xcc: {  	v3 =	vld [tilespmem:s21+$0x4050];
	_ =	sdelay $0x2  }
0xcd: {  	v4 =	vld [tilespmem:s21+$0x50];
	_ =	sdelay $0x1  }
0xce: {  	v3 =	vsub.s32 v3, v0  }
0xcf: {  	vm1 =	vlt.u32 v3, $0x80  }
0xd0: {  	v3 =	vnsel vm1, $0x0, v3  }
0xd1: {  	v56 =	vshll.u32 v4, $0x3;
	v55 =	vshll.u32 v3, $0x9  }
0xd2: {  	v6 =	vand.u32 $0xFFFFFC00, v56;
	v3 =	vshll.u32 v3, $0x7;
	v5 =	vand.u32 $0xFFFFF000, v55  }
0xd3: {  	v3 =	vand.u32 $0x380, v3;
	v5 =	vadd.s32 v6, v5  }
0xd4: {  	v4 =	vand.u32 $0x7F, v4;
	v3 =	vor.u32 v3, v5  }
0xd5: {  	v3 =	vor.u32 v4, v3;
	_ =	sdelay $0x3  }
0xd6: {  	v57 =	vsel vm1, $0x3F800000, v2  }
0xd7: {  	[tilespmem:v3+s17+$0x0] =	vst.idx.add.f32.msk $0xffff, v57  }
0xd8: {  	v3 =	vld [tilespmem:s21+$0x4060];
	_ =	sdelay $0x2  }
0xd9: {  	v4 =	vld [tilespmem:s21+$0x60];
	_ =	sdelay $0x1  }
0xda: {  	v3 =	vsub.s32 v3, v0  }
0xdb: {  	vm1 =	vlt.u32 v3, $0x80  }
0xdc: {  	v3 =	vnsel vm1, $0x0, v3  }
0xdd: {  	v59 =	vshll.u32 v4, $0x3;
	v58 =	vshll.u32 v3, $0x9  }
0xde: {  	v6 =	vand.u32 $0xFFFFFC00, v59;
	v3 =	vshll.u32 v3, $0x7;
	v5 =	vand.u32 $0xFFFFF000, v58  }
0xdf: {  	v3 =	vand.u32 $0x380, v3;
	v5 =	vadd.s32 v6, v5  }
0xe0: {  	v4 =	vand.u32 $0x7F, v4;
	v3 =	vor.u32 v3, v5  }
0xe1: {  	v3 =	vor.u32 v4, v3;
	_ =	sdelay $0x3  }
0xe2: {  	v60 =	vsel vm1, $0x3F800000, v2  }
0xe3: {  	[tilespmem:v3+s17+$0x0] =	vst.idx.add.f32.msk $0xffff, v60  }
0xe4: {  	v3 =	vld [tilespmem:s21+$0x4070];
	_ =	sdelay $0x2  }
0xe5: {  	v4 =	vld [tilespmem:s21+$0x70];
	_ =	sdelay $0x1  }
0xe6: {  	v3 =	vsub.s32 v3, v0  }
0xe7: {  	vm1 =	vlt.u32 v3, $0x80  }
0xe8: {  	v3 =	vnsel vm1, $0x0, v3  }
0xe9: {  	v62 =	vshll.u32 v4, $0x3;
	v61 =	vshll.u32 v3, $0x9  }
0xea: {  	v6 =	vand.u32 $0xFFFFFC00, v62;
	v3 =	vshll.u32 v3, $0x7;
	v5 =	vand.u32 $0xFFFFF000, v61  }
0xeb: {  	v3 =	vand.u32 $0x380, v3;
	v5 =	vadd.s32 v6, v5  }
0xec: {  	v4 =	vand.u32 $0x7F, v4;
	v3 =	vor.u32 v3, v5  }
0xed: {  	p1 =	sne.s32 s20, $0xFE00;
	v3 =	vor.u32 v4, v3  }
.Ltmp1:
0xee: {  	_ = 	snop;
	(pc) =	sbr.rel @p1 .LBB2_4-.Ltmp1, $3  }
0xef: {  	_ =	sdelay $0x1  }
0xf0: {  	v63 =	vsel vm1, $0x3F800000, v2  }
0xf1: {  	s20 =	sadd.s32 $0x200, s20;
	[tilespmem:v3+s17+$0x0] =	vst.idx.add.f32.msk $0xffff, v63  }
0xf2: {  	s20 =	simm.s32 $0x0  }
0xf3: {  	[hbm4b:s9+s20] =	stream.linear.scatter [tilespmem:s17], [sflag:$0x4], $0x10000, $0x38;
	[tilespmem:$0x19080] =	vst v63  }
0xf4: {  	_ =	swait.ge [sflag:s18], $0x10000  }
0xf5: {  	s21 =	sand.u32 $0xF000, s20;
	s22 =	sand.u32 $0x380, s20;
	[sflag:s18] =	ssyncset.done $0x0  }
0xf6: {  	s21 =	sor.u32 s22, s21;
	[sflag:s18] =	ssyncadd.s32 $0xFFFF0000  }
0xf7: {  	[tilespmem:s21+$0x8C70] =	vst v2  }
0xf8: {  	[tilespmem:s21+$0x8000] =	vst v2  }
0xf9: {  	[tilespmem:s21+$0x8010] =	vst v2  }
0xfa: {  	[tilespmem:s21+$0x8020] =	vst v2  }
0xfb: {  	[tilespmem:s21+$0x8030] =	vst v2  }
0xfc: {  	[tilespmem:s21+$0x8040] =	vst v2  }
0xfd: {  	[tilespmem:s21+$0x8050] =	vst v2  }
0xfe: {  	[tilespmem:s21+$0x8060] =	vst v2  }
0xff: {  	[tilespmem:s21+$0x8070] =	vst v2  }
0x100: {  	[tilespmem:s21+$0x8400] =	vst v2  }
0x101: {  	[tilespmem:s21+$0x8410] =	vst v2  }
0x102: {  	[tilespmem:s21+$0x8420] =	vst v2  }
0x103: {  	[tilespmem:s21+$0x8430] =	vst v2  }
0x104: {  	[tilespmem:s21+$0x8440] =	vst v2  }
0x105: {  	[tilespmem:s21+$0x8450] =	vst v2  }
0x106: {  	[tilespmem:s21+$0x8460] =	vst v2  }
0x107: {  	[tilespmem:s21+$0x8470] =	vst v2  }
0x108: {  	[tilespmem:s21+$0x8800] =	vst v2  }
0x109: {  	[tilespmem:s21+$0x8810] =	vst v2  }
0x10a: {  	[tilespmem:s21+$0x8820] =	vst v2  }
0x10b: {  	[tilespmem:s21+$0x8830] =	vst v2  }
0x10c: {  	[tilespmem:s21+$0x8840] =	vst v2  }
0x10d: {  	[tilespmem:s21+$0x8850] =	vst v2  }
0x10e: {  	[tilespmem:s21+$0x8860] =	vst v2  }
0x10f: {  	[tilespmem:s21+$0x8870] =	vst v2  }
0x110: {  	[tilespmem:s21+$0x8C00] =	vst v2  }
0x111: {  	[tilespmem:s21+$0x8C10] =	vst v2  }
0x112: {  	[tilespmem:s21+$0x8C20] =	vst v2  }
0x113: {  	[tilespmem:s21+$0x8C30] =	vst v2  }
0x114: {  	s23 =	simm.s32 $0x200;
	s22 =	simm.s32 $0x80;
	[tilespmem:s21+$0x8C40] =	vst v2  }
0x115: {  	s24 =	sand.u32 $0xF000, s23;
	s23 =	simm.s32 $0x400;
	s25 =	sand.u32 $0x380, s22;
	[tilespmem:s21+$0x8C50] =	vst v2  }
.LBB2_6:
0x116: {  	p1 =	sne.s32 s23, $0xFE00;
	[tilespmem:s21+$0x8C60] =	vst v2;
	s21 =	sor.u32 s25, s24  }
0x117: {  	[tilespmem:s21+$0x8C70] =	vst v2  }
0x118: {  	[tilespmem:s21+$0x8000] =	vst v2  }
0x119: {  	[tilespmem:s21+$0x8010] =	vst v2  }
0x11a: {  	[tilespmem:s21+$0x8020] =	vst v2  }
0x11b: {  	[tilespmem:s21+$0x8030] =	vst v2  }
0x11c: {  	[tilespmem:s21+$0x8040] =	vst v2  }
0x11d: {  	[tilespmem:s21+$0x8050] =	vst v2  }
0x11e: {  	[tilespmem:s21+$0x8060] =	vst v2  }
0x11f: {  	[tilespmem:s21+$0x8070] =	vst v2  }
0x120: {  	[tilespmem:s21+$0x8400] =	vst v2  }
0x121: {  	[tilespmem:s21+$0x8410] =	vst v2  }
0x122: {  	[tilespmem:s21+$0x8420] =	vst v2  }
0x123: {  	[tilespmem:s21+$0x8430] =	vst v2  }
0x124: {  	[tilespmem:s21+$0x8440] =	vst v2  }
0x125: {  	[tilespmem:s21+$0x8450] =	vst v2  }
0x126: {  	[tilespmem:s21+$0x8460] =	vst v2  }
0x127: {  	[tilespmem:s21+$0x8470] =	vst v2  }
0x128: {  	[tilespmem:s21+$0x8800] =	vst v2  }
0x129: {  	[tilespmem:s21+$0x8810] =	vst v2  }
0x12a: {  	[tilespmem:s21+$0x8820] =	vst v2  }
0x12b: {  	[tilespmem:s21+$0x8830] =	vst v2  }
0x12c: {  	[tilespmem:s21+$0x8840] =	vst v2  }
0x12d: {  	[tilespmem:s21+$0x8850] =	vst v2  }
0x12e: {  	[tilespmem:s21+$0x8860] =	vst v2  }
0x12f: {  	[tilespmem:s21+$0x8870] =	vst v2  }
0x130: {  	[tilespmem:s21+$0x8C00] =	vst v2  }
.Ltmp2:
0x131: {  	[tilespmem:s21+$0x8C10] =	vst v2;
	(pc) =	sbr.rel @p1 .LBB2_6-.Ltmp2, $4  }
0x132: {  	[tilespmem:s21+$0x8C20] =	vst v2  }
0x133: {  	[tilespmem:s21+$0x8C30] =	vst v2  }
0x134: {  	s22 =	sadd.s32 $0x80, s22;
	[tilespmem:s21+$0x8C40] =	vst v2  }
0x135: {  	s24 =	sand.u32 $0xF000, s23;
	s23 =	sadd.s32 $0x200, s23;
	s25 =	sand.u32 $0x380, s22;
	[tilespmem:s21+$0x8C50] =	vst v2  }
0x136: {  	s22 =	sor.u32 s25, s24;
	[tilespmem:s21+$0x8C60] =	vst v2  }
0x137: {  	[tilespmem:s22+$0x8C70] =	vst v2  }
0x138: {  	[tilespmem:s22+$0x8000] =	vst v2  }
0x139: {  	[tilespmem:s22+$0x8010] =	vst v2  }
0x13a: {  	[tilespmem:s22+$0x8020] =	vst v2  }
0x13b: {  	[tilespmem:s22+$0x8030] =	vst v2  }
0x13c: {  	[tilespmem:s22+$0x8040] =	vst v2  }
0x13d: {  	[tilespmem:s22+$0x8050] =	vst v2  }
0x13e: {  	[tilespmem:s22+$0x8060] =	vst v2  }
0x13f: {  	[tilespmem:s22+$0x8070] =	vst v2  }
0x140: {  	[tilespmem:s22+$0x8400] =	vst v2  }
0x141: {  	[tilespmem:s22+$0x8410] =	vst v2  }
0x142: {  	[tilespmem:s22+$0x8420] =	vst v2  }
0x143: {  	[tilespmem:s22+$0x8430] =	vst v2  }
0x144: {  	[tilespmem:s22+$0x8440] =	vst v2  }
0x145: {  	[tilespmem:s22+$0x8450] =	vst v2  }
0x146: {  	[tilespmem:s22+$0x8460] =	vst v2  }
0x147: {  	[tilespmem:s22+$0x8470] =	vst v2  }
0x148: {  	[tilespmem:s22+$0x8800] =	vst v2  }
0x149: {  	[tilespmem:s22+$0x8810] =	vst v2  }
0x14a: {  	[tilespmem:s22+$0x8820] =	vst v2  }
0x14b: {  	[tilespmem:s22+$0x8830] =	vst v2  }
0x14c: {  	[tilespmem:s22+$0x8840] =	vst v2  }
0x14d: {  	[tilespmem:s22+$0x8850] =	vst v2  }
0x14e: {  	[tilespmem:s22+$0x8860] =	vst v2  }
0x14f: {  	[tilespmem:s22+$0x8870] =	vst v2  }
0x150: {  	[tilespmem:s22+$0x8C00] =	vst v2  }
0x151: {  	[tilespmem:s22+$0x8C10] =	vst v2  }
0x152: {  	[tilespmem:s22+$0x8C20] =	vst v2  }
0x153: {  	[tilespmem:s22+$0x8C30] =	vst v2  }
0x154: {  	[tilespmem:s22+$0x8C40] =	vst v2  }
0x155: {  	[tilespmem:s22+$0x8C50] =	vst v2  }
0x156: {  	[tilespmem:s22+$0x8C60] =	vst v2  }
.LBB2_8:
0x157: {  	s21 =	sshra.s32 s20, $0x2  }
0x158: {  	v3 =	vld [tilespmem:s21+$0x4000];
	_ =	sdelay $0x2  }
0x159: {  	v4 =	vld [tilespmem:s21+$0x0];
	_ =	sdelay $0x1  }
0x15a: {  	v3 =	vsub.s32 v3, v1  }
0x15b: {  	vm1 =	vlt.u32 v3, $0x80  }
0x15c: {  	v3 =	vnsel vm1, $0x0, v3  }
0x15d: {  	v6 =	vshll.u32 v4, $0x3;
	v5 =	vshll.u32 v3, $0x9  }
0x15e: {  	v6 =	vand.u32 $0xFFFFFC00, v6;
	v3 =	vshll.u32 v3, $0x7;
	v5 =	vand.u32 $0xFFFFF000, v5  }
0x15f: {  	v3 =	vand.u32 $0x380, v3;
	v5 =	vadd.s32 v6, v5  }
0x160: {  	v4 =	vand.u32 $0x7F, v4;
	v3 =	vor.u32 v3, v5  }
0x161: {  	v3 =	vor.u32 v4, v3;
	_ =	sdelay $0x3  }
0x162: {  	v42 =	vsel vm1, $0x3F800000, v2  }
0x163: {  	[tilespmem:v3+s17+$0x0] =	vst.idx.add.f32.msk $0xffff, v42  }
0x164: {  	v3 =	vld [tilespmem:s21+$0x4010];
	_ =	sdelay $0x2  }
0x165: {  	v4 =	vld [tilespmem:s21+$0x10];
	_ =	sdelay $0x1  }
0x166: {  	v3 =	vsub.s32 v3, v1  }
0x167: {  	vm1 =	vlt.u32 v3, $0x80  }
0x168: {  	v3 =	vnsel vm1, $0x0, v3  }
0x169: {  	v44 =	vshll.u32 v4, $0x3;
	v43 =	vshll.u32 v3, $0x9  }
0x16a: {  	v6 =	vand.u32 $0xFFFFFC00, v44;
	v3 =	vshll.u32 v3, $0x7;
	v5 =	vand.u32 $0xFFFFF000, v43  }
0x16b: {  	v3 =	vand.u32 $0x380, v3;
	v5 =	vadd.s32 v6, v5  }
0x16c: {  	v4 =	vand.u32 $0x7F, v4;
	v3 =	vor.u32 v3, v5  }
0x16d: {  	v3 =	vor.u32 v4, v3;
	_ =	sdelay $0x3  }
0x16e: {  	v45 =	vsel vm1, $0x3F800000, v2  }
0x16f: {  	[tilespmem:v3+s17+$0x0] =	vst.idx.add.f32.msk $0xffff, v45  }
0x170: {  	v3 =	vld [tilespmem:s21+$0x4020];
	_ =	sdelay $0x2  }
0x171: {  	v4 =	vld [tilespmem:s21+$0x20];
	_ =	sdelay $0x1  }
0x172: {  	v3 =	vsub.s32 v3, v1  }
0x173: {  	vm1 =	vlt.u32 v3, $0x80  }
0x174: {  	v3 =	vnsel vm1, $0x0, v3  }
0x175: {  	v47 =	vshll.u32 v4, $0x3;
	v46 =	vshll.u32 v3, $0x9  }
0x176: {  	v6 =	vand.u32 $0xFFFFFC00, v47;
	v3 =	vshll.u32 v3, $0x7;
	v5 =	vand.u32 $0xFFFFF000, v46  }
0x177: {  	v3 =	vand.u32 $0x380, v3;
	v5 =	vadd.s32 v6, v5  }
0x178: {  	v4 =	vand.u32 $0x7F, v4;
	v3 =	vor.u32 v3, v5  }
0x179: {  	v3 =	vor.u32 v4, v3;
	_ =	sdelay $0x3  }
0x17a: {  	v48 =	vsel vm1, $0x3F800000, v2  }
0x17b: {  	[tilespmem:v3+s17+$0x0] =	vst.idx.add.f32.msk $0xffff, v48  }
0x17c: {  	v3 =	vld [tilespmem:s21+$0x4030];
	_ =	sdelay $0x2  }
0x17d: {  	v4 =	vld [tilespmem:s21+$0x30];
	_ =	sdelay $0x1  }
0x17e: {  	v3 =	vsub.s32 v3, v1  }
0x17f: {  	vm1 =	vlt.u32 v3, $0x80  }
0x180: {  	v3 =	vnsel vm1, $0x0, v3  }
0x181: {  	v50 =	vshll.u32 v4, $0x3;
	v49 =	vshll.u32 v3, $0x9  }
0x182: {  	v6 =	vand.u32 $0xFFFFFC00, v50;
	v3 =	vshll.u32 v3, $0x7;
	v5 =	vand.u32 $0xFFFFF000, v49  }
0x183: {  	v3 =	vand.u32 $0x380, v3;
	v5 =	vadd.s32 v6, v5  }
0x184: {  	v4 =	vand.u32 $0x7F, v4;
	v3 =	vor.u32 v3, v5  }
0x185: {  	v3 =	vor.u32 v4, v3;
	_ =	sdelay $0x3  }
0x186: {  	v51 =	vsel vm1, $0x3F800000, v2  }
0x187: {  	[tilespmem:v3+s17+$0x0] =	vst.idx.add.f32.msk $0xffff, v51  }
0x188: {  	v3 =	vld [tilespmem:s21+$0x4040];
	_ =	sdelay $0x2  }
0x189: {  	v4 =	vld [tilespmem:s21+$0x40];
	_ =	sdelay $0x1  }
0x18a: {  	v3 =	vsub.s32 v3, v1  }
0x18b: {  	vm1 =	vlt.u32 v3, $0x80  }
0x18c: {  	v3 =	vnsel vm1, $0x0, v3  }
0x18d: {  	v53 =	vshll.u32 v4, $0x3;
	v52 =	vshll.u32 v3, $0x9  }
0x18e: {  	v6 =	vand.u32 $0xFFFFFC00, v53;
	v3 =	vshll.u32 v3, $0x7;
	v5 =	vand.u32 $0xFFFFF000, v52  }
0x18f: {  	v3 =	vand.u32 $0x380, v3;
	v5 =	vadd.s32 v6, v5  }
0x190: {  	v4 =	vand.u32 $0x7F, v4;
	v3 =	vor.u32 v3, v5  }
0x191: {  	v3 =	vor.u32 v4, v3;
	_ =	sdelay $0x3  }
0x192: {  	v54 =	vsel vm1, $0x3F800000, v2  }
0x193: {  	[tilespmem:v3+s17+$0x0] =	vst.idx.add.f32.msk $0xffff, v54  }
0x194: {  	v3 =	vld [tilespmem:s21+$0x4050];
	_ =	sdelay $0x2  }
0x195: {  	v4 =	vld [tilespmem:s21+$0x50];
	_ =	sdelay $0x1  }
0x196: {  	v3 =	vsub.s32 v3, v1  }
0x197: {  	vm1 =	vlt.u32 v3, $0x80  }
0x198: {  	v3 =	vnsel vm1, $0x0, v3  }
0x199: {  	v56 =	vshll.u32 v4, $0x3;
	v55 =	vshll.u32 v3, $0x9  }
0x19a: {  	v6 =	vand.u32 $0xFFFFFC00, v56;
	v3 =	vshll.u32 v3, $0x7;
	v5 =	vand.u32 $0xFFFFF000, v55  }
0x19b: {  	v3 =	vand.u32 $0x380, v3;
	v5 =	vadd.s32 v6, v5  }
0x19c: {  	v4 =	vand.u32 $0x7F, v4;
	v3 =	vor.u32 v3, v5  }
0x19d: {  	v3 =	vor.u32 v4, v3;
	_ =	sdelay $0x3  }
0x19e: {  	v57 =	vsel vm1, $0x3F800000, v2  }
0x19f: {  	[tilespmem:v3+s17+$0x0] =	vst.idx.add.f32.msk $0xffff, v57  }
0x1a0: {  	v3 =	vld [tilespmem:s21+$0x4060];
	_ =	sdelay $0x2  }
0x1a1: {  	v4 =	vld [tilespmem:s21+$0x60];
	_ =	sdelay $0x1  }
0x1a2: {  	v3 =	vsub.s32 v3, v1  }
0x1a3: {  	vm1 =	vlt.u32 v3, $0x80  }
0x1a4: {  	v3 =	vnsel vm1, $0x0, v3  }
0x1a5: {  	v59 =	vshll.u32 v4, $0x3;
	v58 =	vshll.u32 v3, $0x9  }
0x1a6: {  	v6 =	vand.u32 $0xFFFFFC00, v59;
	v3 =	vshll.u32 v3, $0x7;
	v5 =	vand.u32 $0xFFFFF000, v58  }
0x1a7: {  	v3 =	vand.u32 $0x380, v3;
	v5 =	vadd.s32 v6, v5  }
0x1a8: {  	v4 =	vand.u32 $0x7F, v4;
	v3 =	vor.u32 v3, v5  }
0x1a9: {  	v3 =	vor.u32 v4, v3;
	_ =	sdelay $0x3  }
0x1aa: {  	v60 =	vsel vm1, $0x3F800000, v2  }
0x1ab: {  	[tilespmem:v3+s17+$0x0] =	vst.idx.add.f32.msk $0xffff, v60  }
0x1ac: {  	v3 =	vld [tilespmem:s21+$0x4070];
	_ =	sdelay $0x2  }
0x1ad: {  	v4 =	vld [tilespmem:s21+$0x70];
	_ =	sdelay $0x1  }
0x1ae: {  	v3 =	vsub.s32 v3, v1  }
0x1af: {  	vm1 =	vlt.u32 v3, $0x80  }
0x1b0: {  	v3 =	vnsel vm1, $0x0, v3  }
0x1b1: {  	v62 =	vshll.u32 v4, $0x3;
	v61 =	vshll.u32 v3, $0x9  }
0x1b2: {  	v6 =	vand.u32 $0xFFFFFC00, v62;
	v3 =	vshll.u32 v3, $0x7;
	v5 =	vand.u32 $0xFFFFF000, v61  }
0x1b3: {  	v3 =	vand.u32 $0x380, v3;
	v5 =	vadd.s32 v6, v5  }
0x1b4: {  	v4 =	vand.u32 $0x7F, v4;
	v3 =	vor.u32 v3, v5  }
0x1b5: {  	p1 =	sne.s32 s20, $0xFE00;
	v3 =	vor.u32 v4, v3  }
.Ltmp3:
0x1b6: {  	_ = 	snop;
	(pc) =	sbr.rel @p1 .LBB2_8-.Ltmp3, $3  }
0x1b7: {  	_ =	sdelay $0x1  }
0x1b8: {  	v63 =	vsel vm1, $0x3F800000, v2  }
0x1b9: {  	s20 =	sadd.s32 $0x200, s20;
	[tilespmem:v3+s17+$0x0] =	vst.idx.add.f32.msk $0xffff, v63  }
0x1ba: {  	[hbm4b:s10+s3] =	stream.linear.scatter [tilespmem:s17], [sflag:$0x4], $0x10000, $0x38;
	[tilespmem:$0x19080] =	vst v63  }
0x1bb: {  	_ =	swait.ge [sflag:s18], $0x10000  }
0x1bc: {  	[sflag:s18] =	ssyncset.done $0x0  }
0x1bd: {  	s20 =	simm.s32 @!p0 $0x3;
	[sflag:s18] =	ssyncadd.s32 $0xFFFF0000  }
0x1be: {  	_ =	swait.ge @!p0 [sflag:s20], $0x1000  }
0x1bf: {  	s21 =	simm.s32 @!p0 $0x18080;
	s19 =	sadd.s32 $0x1, s19;
	[sflag:s20] =	ssyncset.done @!p0 $0x0  }
0x1c0: {  	p1 =	sne.s32 s19, s12;
	[sflag:s20] =	ssyncadd.s32 @!p0 $0xFFFFF000;
	s20 =	simm.s32 @!p0 $0x0  }
0x1c1: {  	[hbm4b:s11+s20] =	stream.linear.scatter @!p0 [tilespmem:s21], [sflag:$0x4], $0x1000, $0x38;
	[tilespmem:$0x19080] =	vst v63  }
.Ltmp4:
0x1c2: {  	_ = 	snop;
	(pc) =	sbr.rel @p1 .LBB2_1-.Ltmp4, $4  }
0x1c3: {  	s20 =	simm.s32 @!p0 $0x4  }
0x1c4: {  	_ =	swait.ge @!p0 [sflag:s20], $0x1000  }
0x1c5: {  	[sflag:s20] =	ssyncset.done @!p0 $0x0  }
0x1c6: {  	[sflag:s20] =	ssyncadd.s32 @!p0 $0xFFFFF000  }
0x1c7: {  	_ =	sfence.sel $0x180000  }
0x1c8: {  	[bflag:$0x0] =	sbarrier.arrive $0xFFFF  }
0x1c9: {  	p0 =	sne.s32 s0, $0x0;
	_ =	strace $0x90000047  }
0x1ca: {  	s0 =	sadd.s32 @!p0 $0x100000, s1;
	[bflag:$0x2] =	sbarrier.arrive $0xFFFF  }
0x1cb: {  	[sflag:s0] =	ssyncadd.tile.s32 @!p0 $0x1;
	_ =	shalt  }
.Lfunc_end2:
_tile_overlayer_lowered:
.L_overlay_start_2:
0x1cc: {  	(tag) =	ssettag $0x2  }
0x1cd: {  	s0 =	rddreg [dreg:$0x0];
	s2 =	stileid.u32  }
0x1ce: {  	s1 =	rddreg [dreg:$0x1];
	p0 =	sne.s32 s2, $0x0  }
0x1cf: {  	s3 =	rddreg [dreg:$0x2];
	[bflag:$0x3] =	sbarrier.arrive $0xFFFF;
	s2 =	simm.s32 @!p0 $0x1C04  }
0x1d0: {  	[timem:s3], [sflag:s2] =	dma.local @!p0 [hbm:s0], s1  }
0x1d1: {  	s0 =	simm.s32 @!p0 $0x4  }
0x1d2: {  	_ =	swait.ge @!p0 [sflag:s0], s1  }
0x1d3: {  	s1 =	ssub.s32 @!p0 $0x0, s1;
	[sflag:s0] =	ssyncset.done @!p0 $0x0  }
0x1d4: {  	[sflag:s0] =	ssyncadd.s32 @!p0 s1  }
0x1d5: {  	[bflag:$0x3] =	sbarrier.arrive $0xFFFF  }
0x1d6: {  	_ =	shalt  }

</sc_bundles>
